<compile_context>
chip_gen: v7x
topology: tpu7x:2x2x1
jax: 0.10.2.dev20260603
libtpu: 0.0.44.dev20260713+nightly
codegen_flags: <defaults>
</compile_context>

<pallas_src>
import functools

import jax
import jax.numpy as jnp
from jax import lax
from jax.experimental import pallas as pl
from jax.experimental.pallas import tpu as pltpu
from jax.experimental.pallas import tpu_sc as plsc

N_NODES = 10000
N_EDGES = 320000
IN_CH = 128
HID_CH = 256
OUT_CH = 128

CHUNK = 128
NCHUNK = 2560
E_PAD = NCHUNK * CHUNK
N_ACC = 10240
DUMMY_DST = N_NODES + 16
NTILE = 16
NCORE = 2
NBLK = 10
BLKN = N_NODES // NBLK
GRP = 40



def _hist_body(dst_hbm, deg_hbm, didx, ones, zbuf, acc_sp):
    c = lax.axis_index("c")
    s = lax.axis_index("s")
    w = s * NCORE + c

    def fill(i, _):
        ones[pl.ds(i * 16, 16)] = jnp.ones((16,), jnp.float32)
        return 0
    lax.fori_loop(0, CHUNK // 16, fill, 0)

    def zfill(i, _):
        zbuf[pl.ds(i * 16, 16)] = jnp.zeros((16,), jnp.float32)
        return 0
    lax.fori_loop(0, (N_ACC // NTILE) // 16, zfill, 0)

    pltpu.sync_copy(zbuf, acc_sp.at[pl.ds(s * (N_ACC // NTILE), N_ACC // NTILE)])
    plsc.subcore_barrier()

    cpt = NCHUNK // (NTILE * NCORE)

    pltpu.sync_copy(dst_hbm.at[pl.ds(w * cpt, cpt)], didx)

    def chunk_body(j, _):
        pltpu.sync_copy(ones, acc_sp.at[didx.at[j]], add=True)
        return 0
    lax.fori_loop(0, cpt, chunk_body, 0)
    plsc.subcore_barrier()

    span = N_ACC // NTILE
    pltpu.sync_copy(acc_sp.at[pl.ds(s * span, span)],
                    deg_hbm.at[pl.ds(c * N_ACC + s * span, span)])


def _degree_partials(dst_chunks):
    mesh = plsc.VectorSubcoreMesh(core_axis_name="c", subcore_axis_name="s")
    k = pl.kernel(
        _hist_body,
        out_type=jax.ShapeDtypeStruct((NCORE * N_ACC,), jnp.float32),
        mesh=mesh,
        scratch_types=[
            pltpu.VMEM((NCHUNK // (NTILE * NCORE), CHUNK), jnp.int32),
            pltpu.VMEM((CHUNK,), jnp.float32),
            pltpu.VMEM((N_ACC // NTILE,), jnp.float32),
            pltpu.VMEM_SHARED((N_ACC,), jnp.float32),
        ],
    )
    return k(dst_chunks)



def _agg_body(xw_hbm, src_hbm, dst_hbm, out_hbm, sidx, didx, rows,
              gsem0, gsem1, acc_sp, *, dh, edge_split):
    c = lax.axis_index("c")
    s = lax.axis_index("s")

    if edge_split:
        cpt = NCHUNK // (NTILE * NCORE)
        c0 = (s * NCORE + c) * cpt
        srow0 = c0
    else:
        cpt = NCHUNK // NTILE
        c0 = s * cpt
        srow0 = c * NCHUNK + c0

    nvec = (CHUNK * dh) // 16

    def zfill(i, _):
        r = i // (dh // 16)
        col = (i % (dh // 16)) * 16
        rows[0, r, pl.ds(col, 16)] = jnp.zeros((16,), jnp.float32)
        return 0
    lax.fori_loop(0, nvec, zfill, 0)

    span = N_ACC // NTILE

    def zcopy(j, _):
        pltpu.sync_copy(rows.at[0],
                        acc_sp.at[pl.ds(s * span + j * CHUNK, CHUNK)])
        return 0
    lax.fori_loop(0, span // CHUNK, zcopy, 0)
    plsc.subcore_barrier()

    sems = (gsem0, gsem1)
    rounds = GRP // 2

    def group_body(g, _):
        pltpu.sync_copy(src_hbm.at[pl.ds(srow0 + g * GRP, GRP)], sidx)
        pltpu.sync_copy(dst_hbm.at[pl.ds(c0 + g * GRP, GRP)], didx)
        pltpu.async_copy(xw_hbm.at[sidx.at[0]], rows.at[0], gsem0)

        def round_body(r, _):
            for b in (0, 1):
                j = r * 2 + b
                if b == 0:
                    pltpu.async_copy(xw_hbm.at[sidx.at[j + 1]], rows.at[1],
                                     sems[1])
                else:
                    @pl.when(r < rounds - 1)
                    def _():
                        pltpu.async_copy(xw_hbm.at[sidx.at[j + 1]],
                                         rows.at[0], sems[0])
                pltpu.make_async_copy(xw_hbm.at[sidx.at[j]], rows.at[b],
                                      sems[b]).wait()
                pltpu.sync_copy(rows.at[b], acc_sp.at[didx.at[j]], add=True)
            return 0
        lax.fori_loop(0, rounds, round_body, 0)
        return 0
    lax.fori_loop(0, cpt // GRP, group_body, 0)
    plsc.subcore_barrier()

    pltpu.sync_copy(acc_sp.at[pl.ds(s * span, span)],
                    out_hbm.at[pl.ds(c * N_ACC + s * span, span)])


def _aggregate(xw_flat, src_chunks, dst_chunks, dh, edge_split):
    mesh = plsc.VectorSubcoreMesh(core_axis_name="c", subcore_axis_name="s")
    k = pl.kernel(
        functools.partial(_agg_body, dh=dh, edge_split=edge_split),
        out_type=jax.ShapeDtypeStruct((NCORE * N_ACC, dh), jnp.float32),
        mesh=mesh,
        scratch_types=[
            pltpu.VMEM((GRP, CHUNK), jnp.int32),
            pltpu.VMEM((GRP, CHUNK), jnp.int32),
            pltpu.VMEM((2, CHUNK, dh), jnp.float32),
            pltpu.SemaphoreType.DMA,
            pltpu.SemaphoreType.DMA,
            pltpu.VMEM_SHARED((N_ACC, dh), jnp.float32),
        ],
    )
    return k(xw_flat, src_chunks, dst_chunks)



def _tc_a_body(x_ref, w1_ref, degp_ref, xw_ref, dis_ref):
    deg = degp_ref[:, 0:1] + degp_ref[:, 1:2] + 1.0
    dis_col = jax.lax.rsqrt(deg)
    dis_ref[...] = dis_col
    res = jnp.dot(x_ref[...], w1_ref[...],
                  preferred_element_type=jnp.float32)
    scaled = res * dis_col
    xw_ref[0, :, :] = scaled[:, : HID_CH // 2]
    xw_ref[1, :, :] = scaled[:, HID_CH // 2:]


def _tc_a(x, w1, degp):
    return pl.pallas_call(
        _tc_a_body,
        grid=(NBLK,),
        in_specs=[
            pl.BlockSpec((BLKN, IN_CH), lambda n: (n, 0)),
            pl.BlockSpec((IN_CH, HID_CH), lambda n: (0, 0)),
            pl.BlockSpec((BLKN, NCORE), lambda n: (n, 0)),
        ],
        out_specs=[
            pl.BlockSpec((NCORE, BLKN, HID_CH // 2), lambda n: (0, n, 0)),
            pl.BlockSpec((BLKN, 1), lambda n: (n, 0)),
        ],
        out_shape=[
            jax.ShapeDtypeStruct((NCORE, N_NODES, HID_CH // 2), jnp.float32),
            jax.ShapeDtypeStruct((N_NODES, 1), jnp.float32),
        ],
    )(x, w1, degp)


def _tc_b_body(acc_ref, xw_ref, dis_ref, b1_ref, w2_ref, out_ref):
    a0 = acc_ref[0, :, :] + xw_ref[0, :, :]
    a1 = acc_ref[1, :, :] + xw_ref[1, :, :]
    full = jnp.concatenate([a0, a1], axis=1)
    dis_col = dis_ref[...]
    h = jnp.maximum(full * dis_col + b1_ref[...], 0.0)
    res = jnp.dot(h, w2_ref[...], preferred_element_type=jnp.float32)
    out_ref[...] = res * dis_col


def _tc_b(acc1, xw1, dis, b1, w2):
    return pl.pallas_call(
        _tc_b_body,
        grid=(NBLK,),
        in_specs=[
            pl.BlockSpec((NCORE, BLKN, HID_CH // 2), lambda n: (0, n, 0)),
            pl.BlockSpec((NCORE, BLKN, HID_CH // 2), lambda n: (0, n, 0)),
            pl.BlockSpec((BLKN, 1), lambda n: (n, 0)),
            pl.BlockSpec((1, HID_CH), lambda n: (0, 0)),
            pl.BlockSpec((HID_CH, OUT_CH), lambda n: (0, 0)),
        ],
        out_specs=pl.BlockSpec((BLKN, OUT_CH), lambda n: (n, 0)),
        out_shape=jax.ShapeDtypeStruct((N_NODES, OUT_CH), jnp.float32),
    )(acc1, xw1, dis, b1, w2)


def _tc_c_body(acc_ref, xw_ref, dis_ref, b2_ref, out_ref):
    full = acc_ref[0, :, :] + acc_ref[1, :, :] + xw_ref[...]
    out_ref[...] = full * dis_ref[...] + b2_ref[...]


def _tc_c(acc2, xw2, dis, b2):
    return pl.pallas_call(
        _tc_c_body,
        grid=(NBLK,),
        in_specs=[
            pl.BlockSpec((NCORE, BLKN, OUT_CH), lambda n: (0, n, 0)),
            pl.BlockSpec((BLKN, OUT_CH), lambda n: (n, 0)),
            pl.BlockSpec((BLKN, 1), lambda n: (n, 0)),
            pl.BlockSpec((1, OUT_CH), lambda n: (0, 0)),
        ],
        out_specs=pl.BlockSpec((BLKN, OUT_CH), lambda n: (n, 0)),
        out_shape=jax.ShapeDtypeStruct((N_NODES, OUT_CH), jnp.float32),
    )(acc2, xw2, dis, b2)



@jax.jit
def kernel(x, edge_index, W1, b1, W2, b2):
    ei = edge_index.astype(jnp.int32)
    src = ei[0]
    dst = ei[1]
    npad = E_PAD - N_EDGES
    src_pad = jnp.concatenate([src, jnp.zeros((npad,), jnp.int32)])
    dst_pad = jnp.concatenate(
        [dst, jnp.full((npad,), DUMMY_DST, jnp.int32)])
    src_chunks = jnp.concatenate([src_pad, src_pad + N_NODES]) \
        .reshape(NCORE * NCHUNK, CHUNK)
    dst_chunks = dst_pad.reshape(NCHUNK, CHUNK)

    degp = _degree_partials(dst_chunks).reshape(NCORE, N_ACC).T

    xw1, dis = _tc_a(x, W1, degp)
    acc1 = _aggregate(xw1.reshape(NCORE * N_NODES, HID_CH // 2),
                      src_chunks, dst_chunks, HID_CH // 2, edge_split=False)
    acc1 = acc1.reshape(NCORE, N_ACC, HID_CH // 2)

    xw2 = _tc_b(acc1, xw1, dis, b1.reshape(1, HID_CH), W2)
    acc2 = _aggregate(xw2, src_chunks, dst_chunks, OUT_CH, edge_split=True)
    acc2 = acc2.reshape(NCORE, N_ACC, OUT_CH)

    return _tc_c(acc2, xw2, dis, b2.reshape(1, OUT_CH))

# --- scband reference (transcript-rebuilt; emitter-appended) ---
"""Pipeline reference for scband-gcnencoder-88210038326461 (READ-ONLY COPY).

The authoritative reference and input builder live on the scoring server;
editing this copy changes nothing except your own understanding.
"""

import jax, jax.numpy as jnp
import numpy as np

N_NODES = 10000
N_EDGES = 320000
IN_CH = 128
HID_CH = 256
OUT_CH = 128


def gcn_conv(x, edge_index, W, b, n_nodes):
    # GCNConv: add self-loops, symmetric normalization D^-1/2 (A+I) D^-1/2 x W + b
    src = edge_index[0]
    dst = edge_index[1]
    loop = jnp.arange(n_nodes, dtype=src.dtype)
    src = jnp.concatenate([src, loop])
    dst = jnp.concatenate([dst, loop])
    # linear transform first (matches PyG GCNConv)
    xw = x @ W
    # degree (with self loops), computed on dst
    deg = jnp.zeros((n_nodes,), dtype=xw.dtype).at[dst].add(1.0)
    deg_inv_sqrt = jnp.where(deg > 0, deg ** -0.5, 0.0)
    norm = deg_inv_sqrt[src] * deg_inv_sqrt[dst]
    # gather messages from src, scale, scatter-add to dst
    msgs = jnp.take(xw, src, axis=0) * norm[:, None]
    out = jnp.zeros((n_nodes, xw.shape[1]), dtype=xw.dtype).at[dst].add(msgs)
    return out + b


def setup_inputs(seed: int = 0) -> dict:
    key = jax.random.key(seed)
    k1, k2, k3, k4, k5, k6 = jax.random.split(key, 6)
    x = jax.random.normal(k1, (N_NODES, IN_CH), dtype=jnp.float32)
    edge_index = jax.random.randint(k2, (2, N_EDGES), 0, N_NODES, dtype=jnp.int64)
    # glorot-style init for GCN weights
    s1 = (6.0 / (IN_CH + HID_CH)) ** 0.5
    s2 = (6.0 / (HID_CH + OUT_CH)) ** 0.5
    W1 = jax.random.uniform(k3, (IN_CH, HID_CH), dtype=jnp.float32, minval=-s1, maxval=s1)
    b1 = jnp.zeros((HID_CH,), dtype=jnp.float32)
    W2 = jax.random.uniform(k4, (HID_CH, OUT_CH), dtype=jnp.float32, minval=-s2, maxval=s2)
    b2 = jnp.zeros((OUT_CH,), dtype=jnp.float32)
    return {"x": x, "edge_index": edge_index, "W1": W1, "b1": b1, "W2": W2, "b2": b2}


def reference(x, edge_index, W1, b1, W2, b2):
    h = gcn_conv(x, edge_index, W1, b1, N_NODES)
    h = jax.nn.relu(h)
    out = gcn_conv(h, edge_index, W2, b2, N_NODES)
    return out

if __name__ == "__main__":
    import jax
    _d = setup_inputs()
    print(jax.jit(kernel)(*tuple(_d.values())))

</pallas_src>

<mosaic_0001>
#map = affine_map<(d0, d1) -> (0, 0)>
module attributes {stable_mosaic.version = 14 : i64} {
  func.func @_agg_body(%arg0: i32, %arg1: i32, %arg2: memref<20000x128xf32, #tpu.memory_space<hbm>>, %arg3: memref<5120x128xi32, #tpu.memory_space<hbm>>, %arg4: memref<2560x128xi32, #tpu.memory_space<hbm>>, %arg5: memref<20480x128xf32, #tpu.memory_space<hbm>>, %arg6: memref<40x128xi32, #tpu.memory_space<vmem>>, %arg7: memref<40x128xi32, #tpu.memory_space<vmem>>, %arg8: memref<2x128x128xf32, #tpu.memory_space<vmem>>, %arg9: memref<!tpu.dma_semaphore, #tpu.memory_space<semaphore_mem>>, %arg10: memref<!tpu.dma_semaphore, #tpu.memory_space<semaphore_mem>>, %arg11: memref<10240x128xf32, #tpu.memory_space<vmem_shared>>) attributes {dimension_semantics = [#tpu.dimension_semantics<core_parallel>, #tpu.dimension_semantics<subcore_parallel>], iteration_bounds = array<i64: 2, 16>, scalar_prefetch = 0 : i64, scratch_operands = 6 : i64, tpu.core_type = #tpu.core_type<sc_vector_subcore>, window_params = [{transform_indices = #map}, {transform_indices = #map}, {transform_indices = #map}, {transform_indices = #map}]} {
    %mul3A = arith.constant 160 : i32
    %mul3A_0 = arith.muli %arg1, %mul3A : i32
    %mul3A_1 = arith.constant 2560 : i32
    %mul3A_2 = arith.muli %arg0, %mul3A_1 : i32
    %add3A = arith.addi %mul3A_2, %mul3A_0 : i32
    %scan3A = arith.constant 0 : i32
    %scan3A_3 = arith.constant 0 : i32
    %scan3A_4 = arith.constant 1024 : i32
    %scan3A_5 = arith.addi %scan3A_3, %scan3A_4 : i32
    %scan3A_6 = arith.constant 1 : i32
    %scan3A_7 = scf.for %scan3A_31 = %scan3A_3 to %scan3A_5 step %scan3A_6 iter_args(%scan3A_32 = %scan3A) -> (i32)  : i32 {
      %jit3A = arith.constant 8 : i32
      %div3A = arith.divsi %scan3A_31, %jit3A : i32
      %sign3A = arith.constant 0 : i32
      %sign3A_33 = arith.cmpi sgt, %scan3A_31, %sign3A : i32
      %sign3A_34 = arith.extui %sign3A_33 : i1 to i32
      %sign3A_35 = arith.constant 0 : i32
      %sign3A_36 = arith.cmpi slt, %scan3A_31, %sign3A_35 : i32
      %sign3A_37 = arith.extui %sign3A_36 : i1 to i32
      %sign3A_38 = arith.subi %sign3A_34, %sign3A_37 : i32
      %sign3A_39 = arith.constant 0 : i32
      %sign3A_40 = arith.cmpi sgt, %jit3A, %sign3A_39 : i32
      %sign3A_41 = arith.extui %sign3A_40 : i1 to i32
      %sign3A_42 = arith.constant 0 : i32
      %sign3A_43 = arith.cmpi slt, %jit3A, %sign3A_42 : i32
      %sign3A_44 = arith.extui %sign3A_43 : i1 to i32
      %sign3A_45 = arith.subi %sign3A_41, %sign3A_44 : i32
      %ne3A = arith.cmpi ne, %sign3A_38, %sign3A_45 : i32
      %rem3A = arith.remsi %scan3A_31, %jit3A : i32
      %ne3A_46 = arith.constant 0 : i32
      %ne3A_47 = arith.cmpi ne, %rem3A, %ne3A_46 : i32
      %and3A = arith.andi %ne3A, %ne3A_47 : i1
      %sub3A = arith.constant 1 : i32
      %sub3A_48 = arith.subi %div3A, %sub3A : i32
      %select_n3A = arith.select %and3A, %sub3A_48, %div3A : i32
      %jit3A_49 = arith.constant 8 : i32
      %eq3A = arith.constant 0 : i32
      %eq3A_50 = arith.cmpi eq, %jit3A_49, %eq3A : i32
      %jit3A_51 = arith.constant 1 : i32
      %select_n3A_52 = arith.select %eq3A_50, %jit3A_51, %jit3A_49 : i32
      %rem3A_53 = arith.remsi %scan3A_31, %select_n3A_52 : i32
      %ne3A_54 = arith.constant 0 : i32
      %ne3A_55 = arith.cmpi ne, %rem3A_53, %ne3A_54 : i32
      %lt3A = arith.constant 0 : i32
      %lt3A_56 = arith.cmpi slt, %rem3A_53, %lt3A : i32
      %lt3A_57 = arith.constant 0 : i32
      %lt3A_58 = arith.cmpi slt, %select_n3A_52, %lt3A_57 : i32
      %ne3A_59 = arith.xori %lt3A_56, %lt3A_58 : i1
      %and3A_60 = arith.andi %ne3A_59, %ne3A_55 : i1
      %add3A_61 = arith.addi %rem3A_53, %select_n3A_52 : i32
      %select_n3A_62 = arith.select %and3A_60, %add3A_61, %rem3A_53 : i32
      %mul3A_63 = arith.constant 16 : i32
      %mul3A_64 = arith.muli %select_n3A_62, %mul3A_63 : i32
      %broadcast_in_dim3A = arith.constant 0.000000e+00 : f32
      %broadcast_in_dim3A_65 = vector.broadcast %broadcast_in_dim3A : f32 to vector<16xf32>
      %swap3A = arith.constant 0 : i32
      %swap3A_66 = arith.index_cast %swap3A : i32 to index
      %swap3A_67 = arith.index_cast %select_n3A : i32 to index
      %swap3A_68 = arith.index_cast %mul3A_64 : i32 to index
      %swap3A_69 = tpu.vector_load %arg8[%swap3A_66, %swap3A_67, %swap3A_68] {strides = array<i32>} : memref<2x128x128xf32, #tpu.memory_space<vmem>>, vector<1x1x16xf32>,
      %swap3A_70 = vector.shape_cast %swap3A_69 : vector<1x1x16xf32> to vector<16xf32>
      %swap3A_71 = vector.shape_cast %broadcast_in_dim3A_65 : vector<16xf32> to vector<1x1x16xf32>
      tpu.vector_store %arg8[%swap3A_66, %swap3A_67, %swap3A_68], %swap3A_71 {strides = array<i32>} : memref<2x128x128xf32, #tpu.memory_space<vmem>>, vector<1x1x16xf32>,
      %scan3A_72 = arith.constant 0 : i32
      scf.yield %scan3A_72 : i32
    }
    %scan3A_8 = arith.constant 1024 : i32
    %scan3A_9 = arith.constant 0 : i32
    %scan3A_10 = arith.constant 0 : i32
    %scan3A_11 = arith.constant 5 : i32
    %scan3A_12 = arith.addi %scan3A_10, %scan3A_11 : i32
    %scan3A_13 = arith.constant 1 : i32
    %scan3A_14 = scf.for %scan3A_31 = %scan3A_10 to %scan3A_12 step %scan3A_13 iter_args(%scan3A_32 = %scan3A_9) -> (i32)  : i32 {
      %mul3A_33 = arith.constant 640 : i32
      %mul3A_34 = arith.muli %arg1, %mul3A_33 : i32
      %mul3A_35 = arith.constant 128 : i32
      %mul3A_36 = arith.muli %scan3A_31, %mul3A_35 : i32
      %add3A_37 = arith.addi %mul3A_34, %mul3A_36 : i32
      %run_scoped3A = arith.constant 0 : i32
      "tpu.region"() ({
        %run_scoped3A_39 = tpu.sem_alloc : memref<!tpu.dma_semaphore, #tpu.memory_space<semaphore_mem>>
        %dma_start3A = arith.constant 0 : i32
        %dma_start3A_40 = arith.constant 0 : i32
        %dma_start3A_41 = tpu.memref_slice %arg8[%run_scoped3A, %dma_start3A, %dma_start3A_40] : memref<2x128x128xf32, #tpu.memory_space<vmem>> -> memref<1x128x128xf32, #tpu.memory_space<vmem>>
        %dma_start3A_42 = tpu.memref_squeeze %dma_start3A_41 : memref<1x128x128xf32, #tpu.memory_space<vmem>> -> memref<128x128xf32, #tpu.memory_space<vmem>>
        %dma_start3A_43 = arith.constant 0 : i32
        %dma_start3A_44 = tpu.memref_slice %arg11[%add3A_37, %dma_start3A_43] : memref<10240x128xf32, #tpu.memory_space<vmem_shared>> -> memref<128x128xf32, #tpu.memory_space<vmem_shared>>
        %dma_start3A_45 = arith.constant 0 : i32
        %dma_start3A_46 = tpu.memref_slice %arg11[%add3A_37, %dma_start3A_45] : memref<10240x128xf32, #tpu.memory_space<vmem_shared>> -> memref<128x128xf32, #tpu.memory_space<vmem_shared>>
        %dma_start3A_47 = arith.constant 0 : i32
        %dma_start3A_48 = arith.constant 0 : i32
        %dma_start3A_49 = tpu.memref_slice %arg8[%run_scoped3A, %dma_start3A_47, %dma_start3A_48] : memref<2x128x128xf32, #tpu.memory_space<vmem>> -> memref<1x128x128xf32, #tpu.memory_space<vmem>>
        %dma_start3A_50 = tpu.memref_squeeze %dma_start3A_49 : memref<1x128x128xf32, #tpu.memory_space<vmem>> -> memref<128x128xf32, #tpu.memory_space<vmem>>
        tpu.enqueue_dma source(%dma_start3A_50 : memref<128x128xf32, #tpu.memory_space<vmem>>) target(%dma_start3A_46 : memref<128x128xf32, #tpu.memory_space<vmem_shared>>) target_semaphore(%run_scoped3A_39 : memref<!tpu.dma_semaphore, #tpu.memory_space<semaphore_mem>>)
        %dma_wait3A = arith.constant 0 : i32
        %dma_wait3A_51 = arith.constant 0 : i32
        %dma_wait3A_52 = tpu.memref_slice %arg8[%run_scoped3A, %dma_wait3A, %dma_wait3A_51] : memref<2x128x128xf32, #tpu.memory_space<vmem>> -> memref<1x128x128xf32, #tpu.memory_space<vmem>>
        %dma_wait3A_53 = tpu.memref_squeeze %dma_wait3A_52 : memref<1x128x128xf32, #tpu.memory_space<vmem>> -> memref<128x128xf32, #tpu.memory_space<vmem>>
        %dma_wait3A_54 = arith.constant 0 : i32
        %dma_wait3A_55 = tpu.memref_slice %arg11[%add3A_37, %dma_wait3A_54] : memref<10240x128xf32, #tpu.memory_space<vmem_shared>> -> memref<128x128xf32, #tpu.memory_space<vmem_shared>>
        %dma_wait3A_56 = arith.constant 0 : i32
        %dma_wait3A_57 = tpu.memref_slice %arg11[%add3A_37, %dma_wait3A_56] : memref<10240x128xf32, #tpu.memory_space<vmem_shared>> -> memref<128x128xf32, #tpu.memory_space<vmem_shared>>
        %dma_wait3A_58 = arith.constant 0 : i32
        %dma_wait3A_59 = arith.constant 0 : i32
        %dma_wait3A_60 = tpu.memref_slice %arg8[%run_scoped3A, %dma_wait3A_58, %dma_wait3A_59] : memref<2x128x128xf32, #tpu.memory_space<vmem>> -> memref<1x128x128xf32, #tpu.memory_space<vmem>>
        %dma_wait3A_61 = tpu.memref_squeeze %dma_wait3A_60 : memref<1x128x128xf32, #tpu.memory_space<vmem>> -> memref<128x128xf32, #tpu.memory_space<vmem>>
        tpu.wait_dma2 semaphore(%run_scoped3A_39 : memref<!tpu.dma_semaphore, #tpu.memory_space<semaphore_mem>>) src(%dma_wait3A_61 : memref<128x128xf32, #tpu.memory_space<vmem>>) dst(%dma_wait3A_57 : memref<128x128xf32, #tpu.memory_space<vmem_shared>>)
        tpu.yield
      }) : () -> ()
      %scan3A_38 = arith.constant 0 : i32
      scf.yield %scan3A_38 : i32
    }
    %scan3A_15 = arith.constant 5 : i32
    %barrier3A = arith.constant 0 : index
    tpu.barrier barrier_id(%barrier3A)
    %scan3A_16 = arith.constant 0 : i32
    %scan3A_17 = arith.constant 0 : i32
    %scan3A_18 = arith.constant 4 : i32
    %scan3A_19 = arith.addi %scan3A_17, %scan3A_18 : i32
    %scan3A_20 = arith.constant 1 : i32
    %scan3A_21 = scf.for %scan3A_31 = %scan3A_17 to %scan3A_19 step %scan3A_20 iter_args(%scan3A_32 = %scan3A_16) -> (i32)  : i32 {
      %mul3A_33 = arith.constant 40 : i32
      %mul3A_34 = arith.muli %scan3A_31, %mul3A_33 : i32
      %add3A_35 = arith.addi %add3A, %mul3A_34 : i32
      "tpu.region"() ({
        %run_scoped3A = tpu.sem_alloc : memref<!tpu.dma_semaphore, #tpu.memory_space<semaphore_mem>>
        %dma_start3A_58 = arith.constant 0 : i32
        %dma_start3A_59 = tpu.memref_slice %arg3[%add3A_35, %dma_start3A_58] : memref<5120x128xi32, #tpu.memory_space<hbm>> -> memref<40x128xi32, #tpu.memory_space<hbm>>
        %dma_start3A_60 = arith.constant 0 : i32
        %dma_start3A_61 = tpu.memref_slice %arg3[%add3A_35, %dma_start3A_60] : memref<5120x128xi32, #tpu.memory_space<hbm>> -> memref<40x128xi32, #tpu.memory_space<hbm>>
        tpu.enqueue_dma source(%dma_start3A_61 : memref<40x128xi32, #tpu.memory_space<hbm>>) target(%arg6 : memref<40x128xi32, #tpu.memory_space<vmem>>) target_semaphore(%run_scoped3A : memref<!tpu.dma_semaphore, #tpu.memory_space<semaphore_mem>>)
        %dma_wait3A = arith.constant 0 : i32
        %dma_wait3A_62 = tpu.memref_slice %arg3[%add3A_35, %dma_wait3A] : memref<5120x128xi32, #tpu.memory_space<hbm>> -> memref<40x128xi32, #tpu.memory_space<hbm>>
        %dma_wait3A_63 = arith.constant 0 : i32
        %dma_wait3A_64 = tpu.memref_slice %arg3[%add3A_35, %dma_wait3A_63] : memref<5120x128xi32, #tpu.memory_space<hbm>> -> memref<40x128xi32, #tpu.memory_space<hbm>>
        tpu.wait_dma2 semaphore(%run_scoped3A : memref<!tpu.dma_semaphore, #tpu.memory_space<semaphore_mem>>) src(%dma_wait3A_64 : memref<40x128xi32, #tpu.memory_space<hbm>>) dst(%arg6 : memref<40x128xi32, #tpu.memory_space<vmem>>)
        tpu.yield
      }) : () -> ()
      %mul3A_36 = arith.constant 40 : i32
      %mul3A_37 = arith.muli %scan3A_31, %mul3A_36 : i32
      %add3A_38 = arith.addi %mul3A_0, %mul3A_37 : i32
      "tpu.region"() ({
        %run_scoped3A = tpu.sem_alloc : memref<!tpu.dma_semaphore, #tpu.memory_space<semaphore_mem>>
        %dma_start3A_58 = arith.constant 0 : i32
        %dma_start3A_59 = tpu.memref_slice %arg4[%add3A_38, %dma_start3A_58] : memref<2560x128xi32, #tpu.memory_space<hbm>> -> memref<40x128xi32, #tpu.memory_space<hbm>>
        %dma_start3A_60 = arith.constant 0 : i32
        %dma_start3A_61 = tpu.memref_slice %arg4[%add3A_38, %dma_start3A_60] : memref<2560x128xi32, #tpu.memory_space<hbm>> -> memref<40x128xi32, #tpu.memory_space<hbm>>
        tpu.enqueue_dma source(%dma_start3A_61 : memref<40x128xi32, #tpu.memory_space<hbm>>) target(%arg7 : memref<40x128xi32, #tpu.memory_space<vmem>>) target_semaphore(%run_scoped3A : memref<!tpu.dma_semaphore, #tpu.memory_space<semaphore_mem>>)
        %dma_wait3A = arith.constant 0 : i32
        %dma_wait3A_62 = tpu.memref_slice %arg4[%add3A_38, %dma_wait3A] : memref<2560x128xi32, #tpu.memory_space<hbm>> -> memref<40x128xi32, #tpu.memory_space<hbm>>
        %dma_wait3A_63 = arith.constant 0 : i32
        %dma_wait3A_64 = tpu.memref_slice %arg4[%add3A_38, %dma_wait3A_63] : memref<2560x128xi32, #tpu.memory_space<hbm>> -> memref<40x128xi32, #tpu.memory_space<hbm>>
        tpu.wait_dma2 semaphore(%run_scoped3A : memref<!tpu.dma_semaphore, #tpu.memory_space<semaphore_mem>>) src(%dma_wait3A_64 : memref<40x128xi32, #tpu.memory_space<hbm>>) dst(%arg7 : memref<40x128xi32, #tpu.memory_space<vmem>>)
        tpu.yield
      }) : () -> ()
      %dma_start3A = arith.constant 0 : i32
      %dma_start3A_39 = arith.constant 0 : i32
      %dma_start3A_40 = arith.constant 0 : i32
      %dma_start3A_41 = arith.constant 0 : i32
      %dma_start3A_42 = tpu.memref_slice %arg8[%dma_start3A_39, %dma_start3A_40, %dma_start3A_41] : memref<2x128x128xf32, #tpu.memory_space<vmem>> -> memref<1x128x128xf32, #tpu.memory_space<vmem>>
      %dma_start3A_43 = tpu.memref_squeeze %dma_start3A_42 : memref<1x128x128xf32, #tpu.memory_space<vmem>> -> memref<128x128xf32, #tpu.memory_space<vmem>>
      %dma_start3A_44 = arith.constant 0 : i32
      %dma_start3A_45 = tpu.memref_slice %arg6[%dma_start3A, %dma_start3A_44] : memref<40x128xi32, #tpu.memory_space<vmem>> -> memref<1x128xi32, #tpu.memory_space<vmem>>
      %dma_start3A_46 = tpu.memref_squeeze %dma_start3A_45 : memref<1x128xi32, #tpu.memory_space<vmem>> -> memref<128xi32, #tpu.memory_space<vmem>>
      %dma_start3A_47 = arith.constant 0 : i32
      %dma_start3A_48 = arith.constant 0 : i32
      %dma_start3A_49 = tpu.memref_slice %arg2[%dma_start3A_47, %dma_start3A_48] : memref<20000x128xf32, #tpu.memory_space<hbm>> -> memref<20000x128xf32, #tpu.memory_space<hbm>>
      tpu.enqueue_indirect_dma source(%dma_start3A_49 : memref<20000x128xf32, #tpu.memory_space<hbm>>) target(%dma_start3A_43 : memref<128x128xf32, #tpu.memory_space<vmem>>) offsets(%dma_start3A_46 : memref<128xi32, #tpu.memory_space<vmem>>) semaphore(%arg9 : memref<!tpu.dma_semaphore, #tpu.memory_space<semaphore_mem>>)
      %scan3A_50 = arith.constant 0 : i32
      %scan3A_51 = arith.constant 0 : i32
      %scan3A_52 = arith.constant 20 : i32
      %scan3A_53 = arith.addi %scan3A_51, %scan3A_52 : i32
      %scan3A_54 = arith.constant 1 : i32
      %scan3A_55 = scf.for %scan3A_58 = %scan3A_51 to %scan3A_53 step %scan3A_54 iter_args(%scan3A_59 = %scan3A_50) -> (i32)  : i32 {
        %mul3A_60 = arith.constant 2 : i32
        %mul3A_61 = arith.muli %scan3A_58, %mul3A_60 : i32
        %add3A_62 = arith.constant 0 : i32
        %add3A_63 = arith.addi %mul3A_61, %add3A_62 : i32
        %add3A_64 = arith.constant 1 : i32
        %add3A_65 = arith.addi %add3A_63, %add3A_64 : i32
        %dma_start3A_66 = arith.constant 1 : i32
        %dma_start3A_67 = arith.constant 0 : i32
        %dma_start3A_68 = arith.constant 0 : i32
        %dma_start3A_69 = tpu.memref_slice %arg8[%dma_start3A_66, %dma_start3A_67, %dma_start3A_68] : memref<2x128x128xf32, #tpu.memory_space<vmem>> -> memref<1x128x128xf32, #tpu.memory_space<vmem>>
        %dma_start3A_70 = tpu.memref_squeeze %dma_start3A_69 : memref<1x128x128xf32, #tpu.memory_space<vmem>> -> memref<128x128xf32, #tpu.memory_space<vmem>>
        %dma_start3A_71 = arith.constant 0 : i32
        %dma_start3A_72 = tpu.memref_slice %arg6[%add3A_65, %dma_start3A_71] : memref<40x128xi32, #tpu.memory_space<vmem>> -> memref<1x128xi32, #tpu.memory_space<vmem>>
        %dma_start3A_73 = tpu.memref_squeeze %dma_start3A_72 : memref<1x128xi32, #tpu.memory_space<vmem>> -> memref<128xi32, #tpu.memory_space<vmem>>
        %dma_start3A_74 = arith.constant 0 : i32
        %dma_start3A_75 = arith.constant 0 : i32
        %dma_start3A_76 = tpu.memref_slice %arg2[%dma_start3A_74, %dma_start3A_75] : memref<20000x128xf32, #tpu.memory_space<hbm>> -> memref<20000x128xf32, #tpu.memory_space<hbm>>
        tpu.enqueue_indirect_dma source(%dma_start3A_76 : memref<20000x128xf32, #tpu.memory_space<hbm>>) target(%dma_start3A_70 : memref<128x128xf32, #tpu.memory_space<vmem>>) offsets(%dma_start3A_73 : memref<128xi32, #tpu.memory_space<vmem>>) semaphore(%arg10 : memref<!tpu.dma_semaphore, #tpu.memory_space<semaphore_mem>>)
        %dma_wait3A = arith.constant 0 : i32
        %dma_wait3A_77 = arith.constant 0 : i32
        %dma_wait3A_78 = arith.constant 0 : i32
        %dma_wait3A_79 = tpu.memref_slice %arg8[%dma_wait3A, %dma_wait3A_77, %dma_wait3A_78] : memref<2x128x128xf32, #tpu.memory_space<vmem>> -> memref<1x128x128xf32, #tpu.memory_space<vmem>>
        %dma_wait3A_80 = tpu.memref_squeeze %dma_wait3A_79 : memref<1x128x128xf32, #tpu.memory_space<vmem>> -> memref<128x128xf32, #tpu.memory_space<vmem>>
        %dma_wait3A_81 = arith.constant 0 : i32
        %dma_wait3A_82 = tpu.memref_slice %arg6[%add3A_63, %dma_wait3A_81] : memref<40x128xi32, #tpu.memory_space<vmem>> -> memref<1x128xi32, #tpu.memory_space<vmem>>
        %dma_wait3A_83 = tpu.memref_squeeze %dma_wait3A_82 : memref<1x128xi32, #tpu.memory_space<vmem>> -> memref<128xi32, #tpu.memory_space<vmem>>
        %dma_wait3A_84 = arith.constant 0 : i32
        %dma_wait3A_85 = arith.constant 0 : i32
        %dma_wait3A_86 = tpu.memref_slice %arg2[%dma_wait3A_84, %dma_wait3A_85] : memref<20000x128xf32, #tpu.memory_space<hbm>> -> memref<20000x128xf32, #tpu.memory_space<hbm>>
        tpu.wait_indirect_dma semaphore(%arg9 : memref<!tpu.dma_semaphore, #tpu.memory_space<semaphore_mem>>) src(%dma_wait3A_86 : memref<20000x128xf32, #tpu.memory_space<hbm>>) dst(%dma_wait3A_80 : memref<128x128xf32, #tpu.memory_space<vmem>>)
        %run_scoped3A = arith.constant 0 : i32
        "tpu.region"() ({
          %run_scoped3A_106 = tpu.sem_alloc : memref<!tpu.dma_semaphore, #tpu.memory_space<semaphore_mem>>
          %dma_start3A_107 = arith.constant 0 : i32
          %dma_start3A_108 = arith.constant 0 : i32
          %dma_start3A_109 = tpu.memref_slice %arg8[%run_scoped3A, %dma_start3A_107, %dma_start3A_108] : memref<2x128x128xf32, #tpu.memory_space<vmem>> -> memref<1x128x128xf32, #tpu.memory_space<vmem>>
          %dma_start3A_110 = tpu.memref_squeeze %dma_start3A_109 : memref<1x128x128xf32, #tpu.memory_space<vmem>> -> memref<128x128xf32, #tpu.memory_space<vmem>>
          %dma_start3A_111 = arith.constant 0 : i32
          %dma_start3A_112 = tpu.memref_slice %arg7[%add3A_63, %dma_start3A_111] : memref<40x128xi32, #tpu.memory_space<vmem>> -> memref<1x128xi32, #tpu.memory_space<vmem>>
          %dma_start3A_113 = tpu.memref_squeeze %dma_start3A_112 : memref<1x128xi32, #tpu.memory_space<vmem>> -> memref<128xi32, #tpu.memory_space<vmem>>
          %dma_start3A_114 = arith.constant 0 : i32
          %dma_start3A_115 = arith.constant 0 : i32
          %dma_start3A_116 = tpu.memref_slice %arg11[%dma_start3A_114, %dma_start3A_115] : memref<10240x128xf32, #tpu.memory_space<vmem_shared>> -> memref<10240x128xf32, #tpu.memory_space<vmem_shared>>
          tpu.enqueue_indirect_dma source(%dma_start3A_110 : memref<128x128xf32, #tpu.memory_space<vmem>>) target(%dma_start3A_116 : memref<10240x128xf32, #tpu.memory_space<vmem_shared>>) offsets(%dma_start3A_113 : memref<128xi32, #tpu.memory_space<vmem>>) semaphore(%run_scoped3A_106 : memref<!tpu.dma_semaphore, #tpu.memory_space<semaphore_mem>>) {add = true}
          %dma_wait3A_117 = arith.constant 0 : i32
          %dma_wait3A_118 = arith.constant 0 : i32
          %dma_wait3A_119 = tpu.memref_slice %arg8[%run_scoped3A, %dma_wait3A_117, %dma_wait3A_118] : memref<2x128x128xf32, #tpu.memory_space<vmem>> -> memref<1x128x128xf32, #tpu.memory_space<vmem>>
          %dma_wait3A_120 = tpu.memref_squeeze %dma_wait3A_119 : memref<1x128x128xf32, #tpu.memory_space<vmem>> -> memref<128x128xf32, #tpu.memory_space<vmem>>
          %dma_wait3A_121 = arith.constant 0 : i32
          %dma_wait3A_122 = tpu.memref_slice %arg7[%add3A_63, %dma_wait3A_121] : memref<40x128xi32, #tpu.memory_space<vmem>> -> memref<1x128xi32, #tpu.memory_space<vmem>>
          %dma_wait3A_123 = tpu.memref_squeeze %dma_wait3A_122 : memref<1x128xi32, #tpu.memory_space<vmem>> -> memref<128xi32, #tpu.memory_space<vmem>>
          %dma_wait3A_124 = arith.constant 0 : i32
          %dma_wait3A_125 = arith.constant 0 : i32
          %dma_wait3A_126 = tpu.memref_slice %arg11[%dma_wait3A_124, %dma_wait3A_125] : memref<10240x128xf32, #tpu.memory_space<vmem_shared>> -> memref<10240x128xf32, #tpu.memory_space<vmem_shared>>
          tpu.wait_indirect_dma semaphore(%run_scoped3A_106 : memref<!tpu.dma_semaphore, #tpu.memory_space<semaphore_mem>>) src(%dma_wait3A_120 : memref<128x128xf32, #tpu.memory_space<vmem>>) dst(%dma_wait3A_126 : memref<10240x128xf32, #tpu.memory_space<vmem_shared>>)
          tpu.yield
        }) : () -> ()
        %mul3A_87 = arith.constant 2 : i32
        %mul3A_88 = arith.muli %scan3A_58, %mul3A_87 : i32
        %add3A_89 = arith.constant 1 : i32
        %add3A_90 = arith.addi %mul3A_88, %add3A_89 : i32
        %lt3A = arith.constant 19 : i32
        %lt3A_91 = arith.cmpi slt, %scan3A_58, %lt3A : i32
        %convert_element_type3A = arith.extui %lt3A_91 : i1 to i32
        %cond3A = arith.constant 0 : i32
        %cond3A_92 = arith.cmpi ne, %convert_element_type3A, %cond3A : i32
        scf.if %cond3A_92 {
          %add3A_106 = arith.constant 1 : i32
          %add3A_107 = arith.addi %add3A_90, %add3A_106 : i32
          %dma_start3A_108 = arith.constant 0 : i32
          %dma_start3A_109 = arith.constant 0 : i32
          %dma_start3A_110 = arith.constant 0 : i32
          %dma_start3A_111 = tpu.memref_slice %arg8[%dma_start3A_108, %dma_start3A_109, %dma_start3A_110] : memref<2x128x128xf32, #tpu.memory_space<vmem>> -> memref<1x128x128xf32, #tpu.memory_space<vmem>>
          %dma_start3A_112 = tpu.memref_squeeze %dma_start3A_111 : memref<1x128x128xf32, #tpu.memory_space<vmem>> -> memref<128x128xf32, #tpu.memory_space<vmem>>
          %dma_start3A_113 = arith.constant 0 : i32
          %dma_start3A_114 = tpu.memref_slice %arg6[%add3A_107, %dma_start3A_113] : memref<40x128xi32, #tpu.memory_space<vmem>> -> memref<1x128xi32, #tpu.memory_space<vmem>>
          %dma_start3A_115 = tpu.memref_squeeze %dma_start3A_114 : memref<1x128xi32, #tpu.memory_space<vmem>> -> memref<128xi32, #tpu.memory_space<vmem>>
          %dma_start3A_116 = arith.constant 0 : i32
          %dma_start3A_117 = arith.constant 0 : i32
          %dma_start3A_118 = tpu.memref_slice %arg2[%dma_start3A_116, %dma_start3A_117] : memref<20000x128xf32, #tpu.memory_space<hbm>> -> memref<20000x128xf32, #tpu.memory_space<hbm>>
          tpu.enqueue_indirect_dma source(%dma_start3A_118 : memref<20000x128xf32, #tpu.memory_space<hbm>>) target(%dma_start3A_112 : memref<128x128xf32, #tpu.memory_space<vmem>>) offsets(%dma_start3A_115 : memref<128xi32, #tpu.memory_space<vmem>>) semaphore(%arg9 : memref<!tpu.dma_semaphore, #tpu.memory_space<semaphore_mem>>)
        } else {
        }
        %dma_wait3A_93 = arith.constant 1 : i32
        %dma_wait3A_94 = arith.constant 0 : i32
        %dma_wait3A_95 = arith.constant 0 : i32
        %dma_wait3A_96 = tpu.memref_slice %arg8[%dma_wait3A_93, %dma_wait3A_94, %dma_wait3A_95] : memref<2x128x128xf32, #tpu.memory_space<vmem>> -> memref<1x128x128xf32, #tpu.memory_space<vmem>>
        %dma_wait3A_97 = tpu.memref_squeeze %dma_wait3A_96 : memref<1x128x128xf32, #tpu.memory_space<vmem>> -> memref<128x128xf32, #tpu.memory_space<vmem>>
        %dma_wait3A_98 = arith.constant 0 : i32
        %dma_wait3A_99 = tpu.memref_slice %arg6[%add3A_90, %dma_wait3A_98] : memref<40x128xi32, #tpu.memory_space<vmem>> -> memref<1x128xi32, #tpu.memory_space<vmem>>
        %dma_wait3A_100 = tpu.memref_squeeze %dma_wait3A_99 : memref<1x128xi32, #tpu.memory_space<vmem>> -> memref<128xi32, #tpu.memory_space<vmem>>
        %dma_wait3A_101 = arith.constant 0 : i32
        %dma_wait3A_102 = arith.constant 0 : i32
        %dma_wait3A_103 = tpu.memref_slice %arg2[%dma_wait3A_101, %dma_wait3A_102] : memref<20000x128xf32, #tpu.memory_space<hbm>> -> memref<20000x128xf32, #tpu.memory_space<hbm>>
        tpu.wait_indirect_dma semaphore(%arg10 : memref<!tpu.dma_semaphore, #tpu.memory_space<semaphore_mem>>) src(%dma_wait3A_103 : memref<20000x128xf32, #tpu.memory_space<hbm>>) dst(%dma_wait3A_97 : memref<128x128xf32, #tpu.memory_space<vmem>>)
        %run_scoped3A_104 = arith.constant 1 : i32
        "tpu.region"() ({
          %run_scoped3A_106 = tpu.sem_alloc : memref<!tpu.dma_semaphore, #tpu.memory_space<semaphore_mem>>
          %dma_start3A_107 = arith.constant 0 : i32
          %dma_start3A_108 = arith.constant 0 : i32
          %dma_start3A_109 = tpu.memref_slice %arg8[%run_scoped3A_104, %dma_start3A_107, %dma_start3A_108] : memref<2x128x128xf32, #tpu.memory_space<vmem>> -> memref<1x128x128xf32, #tpu.memory_space<vmem>>
          %dma_start3A_110 = tpu.memref_squeeze %dma_start3A_109 : memref<1x128x128xf32, #tpu.memory_space<vmem>> -> memref<128x128xf32, #tpu.memory_space<vmem>>
          %dma_start3A_111 = arith.constant 0 : i32
          %dma_start3A_112 = tpu.memref_slice %arg7[%add3A_90, %dma_start3A_111] : memref<40x128xi32, #tpu.memory_space<vmem>> -> memref<1x128xi32, #tpu.memory_space<vmem>>
          %dma_start3A_113 = tpu.memref_squeeze %dma_start3A_112 : memref<1x128xi32, #tpu.memory_space<vmem>> -> memref<128xi32, #tpu.memory_space<vmem>>
          %dma_start3A_114 = arith.constant 0 : i32
          %dma_start3A_115 = arith.constant 0 : i32
          %dma_start3A_116 = tpu.memref_slice %arg11[%dma_start3A_114, %dma_start3A_115] : memref<10240x128xf32, #tpu.memory_space<vmem_shared>> -> memref<10240x128xf32, #tpu.memory_space<vmem_shared>>
          tpu.enqueue_indirect_dma source(%dma_start3A_110 : memref<128x128xf32, #tpu.memory_space<vmem>>) target(%dma_start3A_116 : memref<10240x128xf32, #tpu.memory_space<vmem_shared>>) offsets(%dma_start3A_113 : memref<128xi32, #tpu.memory_space<vmem>>) semaphore(%run_scoped3A_106 : memref<!tpu.dma_semaphore, #tpu.memory_space<semaphore_mem>>) {add = true}
          %dma_wait3A_117 = arith.constant 0 : i32
          %dma_wait3A_118 = arith.constant 0 : i32
          %dma_wait3A_119 = tpu.memref_slice %arg8[%run_scoped3A_104, %dma_wait3A_117, %dma_wait3A_118] : memref<2x128x128xf32, #tpu.memory_space<vmem>> -> memref<1x128x128xf32, #tpu.memory_space<vmem>>
          %dma_wait3A_120 = tpu.memref_squeeze %dma_wait3A_119 : memref<1x128x128xf32, #tpu.memory_space<vmem>> -> memref<128x128xf32, #tpu.memory_space<vmem>>
          %dma_wait3A_121 = arith.constant 0 : i32
          %dma_wait3A_122 = tpu.memref_slice %arg7[%add3A_90, %dma_wait3A_121] : memref<40x128xi32, #tpu.memory_space<vmem>> -> memref<1x128xi32, #tpu.memory_space<vmem>>
          %dma_wait3A_123 = tpu.memref_squeeze %dma_wait3A_122 : memref<1x128xi32, #tpu.memory_space<vmem>> -> memref<128xi32, #tpu.memory_space<vmem>>
          %dma_wait3A_124 = arith.constant 0 : i32
          %dma_wait3A_125 = arith.constant 0 : i32
          %dma_wait3A_126 = tpu.memref_slice %arg11[%dma_wait3A_124, %dma_wait3A_125] : memref<10240x128xf32, #tpu.memory_space<vmem_shared>> -> memref<10240x128xf32, #tpu.memory_space<vmem_shared>>
          tpu.wait_indirect_dma semaphore(%run_scoped3A_106 : memref<!tpu.dma_semaphore, #tpu.memory_space<semaphore_mem>>) src(%dma_wait3A_120 : memref<128x128xf32, #tpu.memory_space<vmem>>) dst(%dma_wait3A_126 : memref<10240x128xf32, #tpu.memory_space<vmem_shared>>)
          tpu.yield
        }) : () -> ()
        %scan3A_105 = arith.constant 0 : i32
        scf.yield %scan3A_105 : i32
      }
      %scan3A_56 = arith.constant 20 : i32
      %scan3A_57 = arith.constant 0 : i32
      scf.yield %scan3A_57 : i32
    }
    %scan3A_22 = arith.constant 4 : i32
    %barrier3A_23 = arith.constant 0 : index
    tpu.barrier barrier_id(%barrier3A_23)
    %mul3A_24 = arith.constant 640 : i32
    %mul3A_25 = arith.muli %arg1, %mul3A_24 : i32
    %mul3A_26 = arith.constant 10240 : i32
    %mul3A_27 = arith.muli %arg0, %mul3A_26 : i32
    %mul3A_28 = arith.constant 640 : i32
    %mul3A_29 = arith.muli %arg1, %mul3A_28 : i32
    %add3A_30 = arith.addi %mul3A_27, %mul3A_29 : i32
    "tpu.region"() ({
      %run_scoped3A = tpu.sem_alloc : memref<!tpu.dma_semaphore, #tpu.memory_space<semaphore_mem>>
      %dma_start3A = arith.constant 0 : i32
      %dma_start3A_31 = tpu.memref_slice %arg5[%add3A_30, %dma_start3A] : memref<20480x128xf32, #tpu.memory_space<hbm>> -> memref<640x128xf32, #tpu.memory_space<hbm>>
      %dma_start3A_32 = arith.constant 0 : i32
      %dma_start3A_33 = tpu.memref_slice %arg11[%mul3A_25, %dma_start3A_32] : memref<10240x128xf32, #tpu.memory_space<vmem_shared>> -> memref<640x128xf32, #tpu.memory_space<vmem_shared>>
      tpu.enqueue_dma source(%dma_start3A_33 : memref<640x128xf32, #tpu.memory_space<vmem_shared>>) target(%dma_start3A_31 : memref<640x128xf32, #tpu.memory_space<hbm>>) target_semaphore(%run_scoped3A : memref<!tpu.dma_semaphore, #tpu.memory_space<semaphore_mem>>)
      %dma_wait3A = arith.constant 0 : i32
      %dma_wait3A_34 = tpu.memref_slice %arg5[%add3A_30, %dma_wait3A] : memref<20480x128xf32, #tpu.memory_space<hbm>> -> memref<640x128xf32, #tpu.memory_space<hbm>>
      %dma_wait3A_35 = arith.constant 0 : i32
      %dma_wait3A_36 = tpu.memref_slice %arg11[%mul3A_25, %dma_wait3A_35] : memref<10240x128xf32, #tpu.memory_space<vmem_shared>> -> memref<640x128xf32, #tpu.memory_space<vmem_shared>>
      tpu.wait_dma2 semaphore(%run_scoped3A : memref<!tpu.dma_semaphore, #tpu.memory_space<semaphore_mem>>) src(%dma_wait3A_36 : memref<640x128xf32, #tpu.memory_space<vmem_shared>>) dst(%dma_wait3A_34 : memref<640x128xf32, #tpu.memory_space<hbm>>)
      tpu.yield
    }) : () -> ()
    return
  }
}

#map = affine_map<(d0, d1) -> (0, 0)>
module attributes {stable_mosaic.version = 14 : i64} {
  func.func @_agg_body(%arg0: i32, %arg1: i32, %arg2: memref<10000x128xf32, #tpu.memory_space<hbm>>, %arg3: memref<5120x128xi32, #tpu.memory_space<hbm>>, %arg4: memref<2560x128xi32, #tpu.memory_space<hbm>>, %arg5: memref<20480x128xf32, #tpu.memory_space<hbm>>, %arg6: memref<40x128xi32, #tpu.memory_space<vmem>>, %arg7: memref<40x128xi32, #tpu.memory_space<vmem>>, %arg8: memref<2x128x128xf32, #tpu.memory_space<vmem>>, %arg9: memref<!tpu.dma_semaphore, #tpu.memory_space<semaphore_mem>>, %arg10: memref<!tpu.dma_semaphore, #tpu.memory_space<semaphore_mem>>, %arg11: memref<10240x128xf32, #tpu.memory_space<vmem_shared>>) attributes {dimension_semantics = [#tpu.dimension_semantics<core_parallel>, #tpu.dimension_semantics<subcore_parallel>], iteration_bounds = array<i64: 2, 16>, scalar_prefetch = 0 : i64, scratch_operands = 6 : i64, tpu.core_type = #tpu.core_type<sc_vector_subcore>, window_params = [{transform_indices = #map}, {transform_indices = #map}, {transform_indices = #map}, {transform_indices = #map}]} {
    %mul3A = arith.constant 2 : i32
    %mul3A_0 = arith.muli %arg1, %mul3A : i32
    %add3A = arith.addi %mul3A_0, %arg0 : i32
    %mul3A_1 = arith.constant 80 : i32
    %mul3A_2 = arith.muli %add3A, %mul3A_1 : i32
    %scan3A = arith.constant 0 : i32
    %scan3A_3 = arith.constant 0 : i32
    %scan3A_4 = arith.constant 1024 : i32
    %scan3A_5 = arith.addi %scan3A_3, %scan3A_4 : i32
    %scan3A_6 = arith.constant 1 : i32
    %scan3A_7 = scf.for %scan3A_31 = %scan3A_3 to %scan3A_5 step %scan3A_6 iter_args(%scan3A_32 = %scan3A) -> (i32)  : i32 {
      %jit3A = arith.constant 8 : i32
      %div3A = arith.divsi %scan3A_31, %jit3A : i32
      %sign3A = arith.constant 0 : i32
      %sign3A_33 = arith.cmpi sgt, %scan3A_31, %sign3A : i32
      %sign3A_34 = arith.extui %sign3A_33 : i1 to i32
      %sign3A_35 = arith.constant 0 : i32
      %sign3A_36 = arith.cmpi slt, %scan3A_31, %sign3A_35 : i32
      %sign3A_37 = arith.extui %sign3A_36 : i1 to i32
      %sign3A_38 = arith.subi %sign3A_34, %sign3A_37 : i32
      %sign3A_39 = arith.constant 0 : i32
      %sign3A_40 = arith.cmpi sgt, %jit3A, %sign3A_39 : i32
      %sign3A_41 = arith.extui %sign3A_40 : i1 to i32
      %sign3A_42 = arith.constant 0 : i32
      %sign3A_43 = arith.cmpi slt, %jit3A, %sign3A_42 : i32
      %sign3A_44 = arith.extui %sign3A_43 : i1 to i32
      %sign3A_45 = arith.subi %sign3A_41, %sign3A_44 : i32
      %ne3A = arith.cmpi ne, %sign3A_38, %sign3A_45 : i32
      %rem3A = arith.remsi %scan3A_31, %jit3A : i32
      %ne3A_46 = arith.constant 0 : i32
      %ne3A_47 = arith.cmpi ne, %rem3A, %ne3A_46 : i32
      %and3A = arith.andi %ne3A, %ne3A_47 : i1
      %sub3A = arith.constant 1 : i32
      %sub3A_48 = arith.subi %div3A, %sub3A : i32
      %select_n3A = arith.select %and3A, %sub3A_48, %div3A : i32
      %jit3A_49 = arith.constant 8 : i32
      %eq3A = arith.constant 0 : i32
      %eq3A_50 = arith.cmpi eq, %jit3A_49, %eq3A : i32
      %jit3A_51 = arith.constant 1 : i32
      %select_n3A_52 = arith.select %eq3A_50, %jit3A_51, %jit3A_49 : i32
      %rem3A_53 = arith.remsi %scan3A_31, %select_n3A_52 : i32
      %ne3A_54 = arith.constant 0 : i32
      %ne3A_55 = arith.cmpi ne, %rem3A_53, %ne3A_54 : i32
      %lt3A = arith.constant 0 : i32
      %lt3A_56 = arith.cmpi slt, %rem3A_53, %lt3A : i32
      %lt3A_57 = arith.constant 0 : i32
      %lt3A_58 = arith.cmpi slt, %select_n3A_52, %lt3A_57 : i32
      %ne3A_59 = arith.xori %lt3A_56, %lt3A_58 : i1
      %and3A_60 = arith.andi %ne3A_59, %ne3A_55 : i1
      %add3A_61 = arith.addi %rem3A_53, %select_n3A_52 : i32
      %select_n3A_62 = arith.select %and3A_60, %add3A_61, %rem3A_53 : i32
      %mul3A_63 = arith.constant 16 : i32
      %mul3A_64 = arith.muli %select_n3A_62, %mul3A_63 : i32
      %broadcast_in_dim3A = arith.constant 0.000000e+00 : f32
      %broadcast_in_dim3A_65 = vector.broadcast %broadcast_in_dim3A : f32 to vector<16xf32>
      %swap3A = arith.constant 0 : i32
      %swap3A_66 = arith.index_cast %swap3A : i32 to index
      %swap3A_67 = arith.index_cast %select_n3A : i32 to index
      %swap3A_68 = arith.index_cast %mul3A_64 : i32 to index
      %swap3A_69 = tpu.vector_load %arg8[%swap3A_66, %swap3A_67, %swap3A_68] {strides = array<i32>} : memref<2x128x128xf32, #tpu.memory_space<vmem>>, vector<1x1x16xf32>,
      %swap3A_70 = vector.shape_cast %swap3A_69 : vector<1x1x16xf32> to vector<16xf32>
      %swap3A_71 = vector.shape_cast %broadcast_in_dim3A_65 : vector<16xf32> to vector<1x1x16xf32>
      tpu.vector_store %arg8[%swap3A_66, %swap3A_67, %swap3A_68], %swap3A_71 {strides = array<i32>} : memref<2x128x128xf32, #tpu.memory_space<vmem>>, vector<1x1x16xf32>,
      %scan3A_72 = arith.constant 0 : i32
      scf.yield %scan3A_72 : i32
    }
    %scan3A_8 = arith.constant 1024 : i32
    %scan3A_9 = arith.constant 0 : i32
    %scan3A_10 = arith.constant 0 : i32
    %scan3A_11 = arith.constant 5 : i32
    %scan3A_12 = arith.addi %scan3A_10, %scan3A_11 : i32
    %scan3A_13 = arith.constant 1 : i32
    %scan3A_14 = scf.for %scan3A_31 = %scan3A_10 to %scan3A_12 step %scan3A_13 iter_args(%scan3A_32 = %scan3A_9) -> (i32)  : i32 {
      %mul3A_33 = arith.constant 640 : i32
      %mul3A_34 = arith.muli %arg1, %mul3A_33 : i32
      %mul3A_35 = arith.constant 128 : i32
      %mul3A_36 = arith.muli %scan3A_31, %mul3A_35 : i32
      %add3A_37 = arith.addi %mul3A_34, %mul3A_36 : i32
      %run_scoped3A = arith.constant 0 : i32
      "tpu.region"() ({
        %run_scoped3A_39 = tpu.sem_alloc : memref<!tpu.dma_semaphore, #tpu.memory_space<semaphore_mem>>
        %dma_start3A = arith.constant 0 : i32
        %dma_start3A_40 = arith.constant 0 : i32
        %dma_start3A_41 = tpu.memref_slice %arg8[%run_scoped3A, %dma_start3A, %dma_start3A_40] : memref<2x128x128xf32, #tpu.memory_space<vmem>> -> memref<1x128x128xf32, #tpu.memory_space<vmem>>
        %dma_start3A_42 = tpu.memref_squeeze %dma_start3A_41 : memref<1x128x128xf32, #tpu.memory_space<vmem>> -> memref<128x128xf32, #tpu.memory_space<vmem>>
        %dma_start3A_43 = arith.constant 0 : i32
        %dma_start3A_44 = tpu.memref_slice %arg11[%add3A_37, %dma_start3A_43] : memref<10240x128xf32, #tpu.memory_space<vmem_shared>> -> memref<128x128xf32, #tpu.memory_space<vmem_shared>>
        %dma_start3A_45 = arith.constant 0 : i32
        %dma_start3A_46 = tpu.memref_slice %arg11[%add3A_37, %dma_start3A_45] : memref<10240x128xf32, #tpu.memory_space<vmem_shared>> -> memref<128x128xf32, #tpu.memory_space<vmem_shared>>
        %dma_start3A_47 = arith.constant 0 : i32
        %dma_start3A_48 = arith.constant 0 : i32
        %dma_start3A_49 = tpu.memref_slice %arg8[%run_scoped3A, %dma_start3A_47, %dma_start3A_48] : memref<2x128x128xf32, #tpu.memory_space<vmem>> -> memref<1x128x128xf32, #tpu.memory_space<vmem>>
        %dma_start3A_50 = tpu.memref_squeeze %dma_start3A_49 : memref<1x128x128xf32, #tpu.memory_space<vmem>> -> memref<128x128xf32, #tpu.memory_space<vmem>>
        tpu.enqueue_dma source(%dma_start3A_50 : memref<128x128xf32, #tpu.memory_space<vmem>>) target(%dma_start3A_46 : memref<128x128xf32, #tpu.memory_space<vmem_shared>>) target_semaphore(%run_scoped3A_39 : memref<!tpu.dma_semaphore, #tpu.memory_space<semaphore_mem>>)
        %dma_wait3A = arith.constant 0 : i32
        %dma_wait3A_51 = arith.constant 0 : i32
        %dma_wait3A_52 = tpu.memref_slice %arg8[%run_scoped3A, %dma_wait3A, %dma_wait3A_51] : memref<2x128x128xf32, #tpu.memory_space<vmem>> -> memref<1x128x128xf32, #tpu.memory_space<vmem>>
        %dma_wait3A_53 = tpu.memref_squeeze %dma_wait3A_52 : memref<1x128x128xf32, #tpu.memory_space<vmem>> -> memref<128x128xf32, #tpu.memory_space<vmem>>
        %dma_wait3A_54 = arith.constant 0 : i32
        %dma_wait3A_55 = tpu.memref_slice %arg11[%add3A_37, %dma_wait3A_54] : memref<10240x128xf32, #tpu.memory_space<vmem_shared>> -> memref<128x128xf32, #tpu.memory_space<vmem_shared>>
        %dma_wait3A_56 = arith.constant 0 : i32
        %dma_wait3A_57 = tpu.memref_slice %arg11[%add3A_37, %dma_wait3A_56] : memref<10240x128xf32, #tpu.memory_space<vmem_shared>> -> memref<128x128xf32, #tpu.memory_space<vmem_shared>>
        %dma_wait3A_58 = arith.constant 0 : i32
        %dma_wait3A_59 = arith.constant 0 : i32
        %dma_wait3A_60 = tpu.memref_slice %arg8[%run_scoped3A, %dma_wait3A_58, %dma_wait3A_59] : memref<2x128x128xf32, #tpu.memory_space<vmem>> -> memref<1x128x128xf32, #tpu.memory_space<vmem>>
        %dma_wait3A_61 = tpu.memref_squeeze %dma_wait3A_60 : memref<1x128x128xf32, #tpu.memory_space<vmem>> -> memref<128x128xf32, #tpu.memory_space<vmem>>
        tpu.wait_dma2 semaphore(%run_scoped3A_39 : memref<!tpu.dma_semaphore, #tpu.memory_space<semaphore_mem>>) src(%dma_wait3A_61 : memref<128x128xf32, #tpu.memory_space<vmem>>) dst(%dma_wait3A_57 : memref<128x128xf32, #tpu.memory_space<vmem_shared>>)
        tpu.yield
      }) : () -> ()
      %scan3A_38 = arith.constant 0 : i32
      scf.yield %scan3A_38 : i32
    }
    %scan3A_15 = arith.constant 5 : i32
    %barrier3A = arith.constant 0 : index
    tpu.barrier barrier_id(%barrier3A)
    %scan3A_16 = arith.constant 0 : i32
    %scan3A_17 = arith.constant 0 : i32
    %scan3A_18 = arith.constant 2 : i32
    %scan3A_19 = arith.addi %scan3A_17, %scan3A_18 : i32
    %scan3A_20 = arith.constant 1 : i32
    %scan3A_21 = scf.for %scan3A_31 = %scan3A_17 to %scan3A_19 step %scan3A_20 iter_args(%scan3A_32 = %scan3A_16) -> (i32)  : i32 {
      %mul3A_33 = arith.constant 40 : i32
      %mul3A_34 = arith.muli %scan3A_31, %mul3A_33 : i32
      %add3A_35 = arith.addi %mul3A_2, %mul3A_34 : i32
      "tpu.region"() ({
        %run_scoped3A = tpu.sem_alloc : memref<!tpu.dma_semaphore, #tpu.memory_space<semaphore_mem>>
        %dma_start3A_58 = arith.constant 0 : i32
        %dma_start3A_59 = tpu.memref_slice %arg3[%add3A_35, %dma_start3A_58] : memref<5120x128xi32, #tpu.memory_space<hbm>> -> memref<40x128xi32, #tpu.memory_space<hbm>>
        %dma_start3A_60 = arith.constant 0 : i32
        %dma_start3A_61 = tpu.memref_slice %arg3[%add3A_35, %dma_start3A_60] : memref<5120x128xi32, #tpu.memory_space<hbm>> -> memref<40x128xi32, #tpu.memory_space<hbm>>
        tpu.enqueue_dma source(%dma_start3A_61 : memref<40x128xi32, #tpu.memory_space<hbm>>) target(%arg6 : memref<40x128xi32, #tpu.memory_space<vmem>>) target_semaphore(%run_scoped3A : memref<!tpu.dma_semaphore, #tpu.memory_space<semaphore_mem>>)
        %dma_wait3A = arith.constant 0 : i32
        %dma_wait3A_62 = tpu.memref_slice %arg3[%add3A_35, %dma_wait3A] : memref<5120x128xi32, #tpu.memory_space<hbm>> -> memref<40x128xi32, #tpu.memory_space<hbm>>
        %dma_wait3A_63 = arith.constant 0 : i32
        %dma_wait3A_64 = tpu.memref_slice %arg3[%add3A_35, %dma_wait3A_63] : memref<5120x128xi32, #tpu.memory_space<hbm>> -> memref<40x128xi32, #tpu.memory_space<hbm>>
        tpu.wait_dma2 semaphore(%run_scoped3A : memref<!tpu.dma_semaphore, #tpu.memory_space<semaphore_mem>>) src(%dma_wait3A_64 : memref<40x128xi32, #tpu.memory_space<hbm>>) dst(%arg6 : memref<40x128xi32, #tpu.memory_space<vmem>>)
        tpu.yield
      }) : () -> ()
      %mul3A_36 = arith.constant 40 : i32
      %mul3A_37 = arith.muli %scan3A_31, %mul3A_36 : i32
      %add3A_38 = arith.addi %mul3A_2, %mul3A_37 : i32
      "tpu.region"() ({
        %run_scoped3A = tpu.sem_alloc : memref<!tpu.dma_semaphore, #tpu.memory_space<semaphore_mem>>
        %dma_start3A_58 = arith.constant 0 : i32
        %dma_start3A_59 = tpu.memref_slice %arg4[%add3A_38, %dma_start3A_58] : memref<2560x128xi32, #tpu.memory_space<hbm>> -> memref<40x128xi32, #tpu.memory_space<hbm>>
        %dma_start3A_60 = arith.constant 0 : i32
        %dma_start3A_61 = tpu.memref_slice %arg4[%add3A_38, %dma_start3A_60] : memref<2560x128xi32, #tpu.memory_space<hbm>> -> memref<40x128xi32, #tpu.memory_space<hbm>>
        tpu.enqueue_dma source(%dma_start3A_61 : memref<40x128xi32, #tpu.memory_space<hbm>>) target(%arg7 : memref<40x128xi32, #tpu.memory_space<vmem>>) target_semaphore(%run_scoped3A : memref<!tpu.dma_semaphore, #tpu.memory_space<semaphore_mem>>)
        %dma_wait3A = arith.constant 0 : i32
        %dma_wait3A_62 = tpu.memref_slice %arg4[%add3A_38, %dma_wait3A] : memref<2560x128xi32, #tpu.memory_space<hbm>> -> memref<40x128xi32, #tpu.memory_space<hbm>>
        %dma_wait3A_63 = arith.constant 0 : i32
        %dma_wait3A_64 = tpu.memref_slice %arg4[%add3A_38, %dma_wait3A_63] : memref<2560x128xi32, #tpu.memory_space<hbm>> -> memref<40x128xi32, #tpu.memory_space<hbm>>
        tpu.wait_dma2 semaphore(%run_scoped3A : memref<!tpu.dma_semaphore, #tpu.memory_space<semaphore_mem>>) src(%dma_wait3A_64 : memref<40x128xi32, #tpu.memory_space<hbm>>) dst(%arg7 : memref<40x128xi32, #tpu.memory_space<vmem>>)
        tpu.yield
      }) : () -> ()
      %dma_start3A = arith.constant 0 : i32
      %dma_start3A_39 = arith.constant 0 : i32
      %dma_start3A_40 = arith.constant 0 : i32
      %dma_start3A_41 = arith.constant 0 : i32
      %dma_start3A_42 = tpu.memref_slice %arg8[%dma_start3A_39, %dma_start3A_40, %dma_start3A_41] : memref<2x128x128xf32, #tpu.memory_space<vmem>> -> memref<1x128x128xf32, #tpu.memory_space<vmem>>
      %dma_start3A_43 = tpu.memref_squeeze %dma_start3A_42 : memref<1x128x128xf32, #tpu.memory_space<vmem>> -> memref<128x128xf32, #tpu.memory_space<vmem>>
      %dma_start3A_44 = arith.constant 0 : i32
      %dma_start3A_45 = tpu.memref_slice %arg6[%dma_start3A, %dma_start3A_44] : memref<40x128xi32, #tpu.memory_space<vmem>> -> memref<1x128xi32, #tpu.memory_space<vmem>>
      %dma_start3A_46 = tpu.memref_squeeze %dma_start3A_45 : memref<1x128xi32, #tpu.memory_space<vmem>> -> memref<128xi32, #tpu.memory_space<vmem>>
      %dma_start3A_47 = arith.constant 0 : i32
      %dma_start3A_48 = arith.constant 0 : i32
      %dma_start3A_49 = tpu.memref_slice %arg2[%dma_start3A_47, %dma_start3A_48] : memref<10000x128xf32, #tpu.memory_space<hbm>> -> memref<10000x128xf32, #tpu.memory_space<hbm>>
      tpu.enqueue_indirect_dma source(%dma_start3A_49 : memref<10000x128xf32, #tpu.memory_space<hbm>>) target(%dma_start3A_43 : memref<128x128xf32, #tpu.memory_space<vmem>>) offsets(%dma_start3A_46 : memref<128xi32, #tpu.memory_space<vmem>>) semaphore(%arg9 : memref<!tpu.dma_semaphore, #tpu.memory_space<semaphore_mem>>)
      %scan3A_50 = arith.constant 0 : i32
      %scan3A_51 = arith.constant 0 : i32
      %scan3A_52 = arith.constant 20 : i32
      %scan3A_53 = arith.addi %scan3A_51, %scan3A_52 : i32
      %scan3A_54 = arith.constant 1 : i32
      %scan3A_55 = scf.for %scan3A_58 = %scan3A_51 to %scan3A_53 step %scan3A_54 iter_args(%scan3A_59 = %scan3A_50) -> (i32)  : i32 {
        %mul3A_60 = arith.constant 2 : i32
        %mul3A_61 = arith.muli %scan3A_58, %mul3A_60 : i32
        %add3A_62 = arith.constant 0 : i32
        %add3A_63 = arith.addi %mul3A_61, %add3A_62 : i32
        %add3A_64 = arith.constant 1 : i32
        %add3A_65 = arith.addi %add3A_63, %add3A_64 : i32
        %dma_start3A_66 = arith.constant 1 : i32
        %dma_start3A_67 = arith.constant 0 : i32
        %dma_start3A_68 = arith.constant 0 : i32
        %dma_start3A_69 = tpu.memref_slice %arg8[%dma_start3A_66, %dma_start3A_67, %dma_start3A_68] : memref<2x128x128xf32, #tpu.memory_space<vmem>> -> memref<1x128x128xf32, #tpu.memory_space<vmem>>
        %dma_start3A_70 = tpu.memref_squeeze %dma_start3A_69 : memref<1x128x128xf32, #tpu.memory_space<vmem>> -> memref<128x128xf32, #tpu.memory_space<vmem>>
        %dma_start3A_71 = arith.constant 0 : i32
        %dma_start3A_72 = tpu.memref_slice %arg6[%add3A_65, %dma_start3A_71] : memref<40x128xi32, #tpu.memory_space<vmem>> -> memref<1x128xi32, #tpu.memory_space<vmem>>
        %dma_start3A_73 = tpu.memref_squeeze %dma_start3A_72 : memref<1x128xi32, #tpu.memory_space<vmem>> -> memref<128xi32, #tpu.memory_space<vmem>>
        %dma_start3A_74 = arith.constant 0 : i32
        %dma_start3A_75 = arith.constant 0 : i32
        %dma_start3A_76 = tpu.memref_slice %arg2[%dma_start3A_74, %dma_start3A_75] : memref<10000x128xf32, #tpu.memory_space<hbm>> -> memref<10000x128xf32, #tpu.memory_space<hbm>>
        tpu.enqueue_indirect_dma source(%dma_start3A_76 : memref<10000x128xf32, #tpu.memory_space<hbm>>) target(%dma_start3A_70 : memref<128x128xf32, #tpu.memory_space<vmem>>) offsets(%dma_start3A_73 : memref<128xi32, #tpu.memory_space<vmem>>) semaphore(%arg10 : memref<!tpu.dma_semaphore, #tpu.memory_space<semaphore_mem>>)
        %dma_wait3A = arith.constant 0 : i32
        %dma_wait3A_77 = arith.constant 0 : i32
        %dma_wait3A_78 = arith.constant 0 : i32
        %dma_wait3A_79 = tpu.memref_slice %arg8[%dma_wait3A, %dma_wait3A_77, %dma_wait3A_78] : memref<2x128x128xf32, #tpu.memory_space<vmem>> -> memref<1x128x128xf32, #tpu.memory_space<vmem>>
        %dma_wait3A_80 = tpu.memref_squeeze %dma_wait3A_79 : memref<1x128x128xf32, #tpu.memory_space<vmem>> -> memref<128x128xf32, #tpu.memory_space<vmem>>
        %dma_wait3A_81 = arith.constant 0 : i32
        %dma_wait3A_82 = tpu.memref_slice %arg6[%add3A_63, %dma_wait3A_81] : memref<40x128xi32, #tpu.memory_space<vmem>> -> memref<1x128xi32, #tpu.memory_space<vmem>>
        %dma_wait3A_83 = tpu.memref_squeeze %dma_wait3A_82 : memref<1x128xi32, #tpu.memory_space<vmem>> -> memref<128xi32, #tpu.memory_space<vmem>>
        %dma_wait3A_84 = arith.constant 0 : i32
        %dma_wait3A_85 = arith.constant 0 : i32
        %dma_wait3A_86 = tpu.memref_slice %arg2[%dma_wait3A_84, %dma_wait3A_85] : memref<10000x128xf32, #tpu.memory_space<hbm>> -> memref<10000x128xf32, #tpu.memory_space<hbm>>
        tpu.wait_indirect_dma semaphore(%arg9 : memref<!tpu.dma_semaphore, #tpu.memory_space<semaphore_mem>>) src(%dma_wait3A_86 : memref<10000x128xf32, #tpu.memory_space<hbm>>) dst(%dma_wait3A_80 : memref<128x128xf32, #tpu.memory_space<vmem>>)
        %run_scoped3A = arith.constant 0 : i32
        "tpu.region"() ({
          %run_scoped3A_106 = tpu.sem_alloc : memref<!tpu.dma_semaphore, #tpu.memory_space<semaphore_mem>>
          %dma_start3A_107 = arith.constant 0 : i32
          %dma_start3A_108 = arith.constant 0 : i32
          %dma_start3A_109 = tpu.memref_slice %arg8[%run_scoped3A, %dma_start3A_107, %dma_start3A_108] : memref<2x128x128xf32, #tpu.memory_space<vmem>> -> memref<1x128x128xf32, #tpu.memory_space<vmem>>
          %dma_start3A_110 = tpu.memref_squeeze %dma_start3A_109 : memref<1x128x128xf32, #tpu.memory_space<vmem>> -> memref<128x128xf32, #tpu.memory_space<vmem>>
          %dma_start3A_111 = arith.constant 0 : i32
          %dma_start3A_112 = tpu.memref_slice %arg7[%add3A_63, %dma_start3A_111] : memref<40x128xi32, #tpu.memory_space<vmem>> -> memref<1x128xi32, #tpu.memory_space<vmem>>
          %dma_start3A_113 = tpu.memref_squeeze %dma_start3A_112 : memref<1x128xi32, #tpu.memory_space<vmem>> -> memref<128xi32, #tpu.memory_space<vmem>>
          %dma_start3A_114 = arith.constant 0 : i32
          %dma_start3A_115 = arith.constant 0 : i32
          %dma_start3A_116 = tpu.memref_slice %arg11[%dma_start3A_114, %dma_start3A_115] : memref<10240x128xf32, #tpu.memory_space<vmem_shared>> -> memref<10240x128xf32, #tpu.memory_space<vmem_shared>>
          tpu.enqueue_indirect_dma source(%dma_start3A_110 : memref<128x128xf32, #tpu.memory_space<vmem>>) target(%dma_start3A_116 : memref<10240x128xf32, #tpu.memory_space<vmem_shared>>) offsets(%dma_start3A_113 : memref<128xi32, #tpu.memory_space<vmem>>) semaphore(%run_scoped3A_106 : memref<!tpu.dma_semaphore, #tpu.memory_space<semaphore_mem>>) {add = true}
          %dma_wait3A_117 = arith.constant 0 : i32
          %dma_wait3A_118 = arith.constant 0 : i32
          %dma_wait3A_119 = tpu.memref_slice %arg8[%run_scoped3A, %dma_wait3A_117, %dma_wait3A_118] : memref<2x128x128xf32, #tpu.memory_space<vmem>> -> memref<1x128x128xf32, #tpu.memory_space<vmem>>
          %dma_wait3A_120 = tpu.memref_squeeze %dma_wait3A_119 : memref<1x128x128xf32, #tpu.memory_space<vmem>> -> memref<128x128xf32, #tpu.memory_space<vmem>>
          %dma_wait3A_121 = arith.constant 0 : i32
          %dma_wait3A_122 = tpu.memref_slice %arg7[%add3A_63, %dma_wait3A_121] : memref<40x128xi32, #tpu.memory_space<vmem>> -> memref<1x128xi32, #tpu.memory_space<vmem>>
          %dma_wait3A_123 = tpu.memref_squeeze %dma_wait3A_122 : memref<1x128xi32, #tpu.memory_space<vmem>> -> memref<128xi32, #tpu.memory_space<vmem>>
          %dma_wait3A_124 = arith.constant 0 : i32
          %dma_wait3A_125 = arith.constant 0 : i32
          %dma_wait3A_126 = tpu.memref_slice %arg11[%dma_wait3A_124, %dma_wait3A_125] : memref<10240x128xf32, #tpu.memory_space<vmem_shared>> -> memref<10240x128xf32, #tpu.memory_space<vmem_shared>>
          tpu.wait_indirect_dma semaphore(%run_scoped3A_106 : memref<!tpu.dma_semaphore, #tpu.memory_space<semaphore_mem>>) src(%dma_wait3A_120 : memref<128x128xf32, #tpu.memory_space<vmem>>) dst(%dma_wait3A_126 : memref<10240x128xf32, #tpu.memory_space<vmem_shared>>)
          tpu.yield
        }) : () -> ()
        %mul3A_87 = arith.constant 2 : i32
        %mul3A_88 = arith.muli %scan3A_58, %mul3A_87 : i32
        %add3A_89 = arith.constant 1 : i32
        %add3A_90 = arith.addi %mul3A_88, %add3A_89 : i32
        %lt3A = arith.constant 19 : i32
        %lt3A_91 = arith.cmpi slt, %scan3A_58, %lt3A : i32
        %convert_element_type3A = arith.extui %lt3A_91 : i1 to i32
        %cond3A = arith.constant 0 : i32
        %cond3A_92 = arith.cmpi ne, %convert_element_type3A, %cond3A : i32
        scf.if %cond3A_92 {
          %add3A_106 = arith.constant 1 : i32
          %add3A_107 = arith.addi %add3A_90, %add3A_106 : i32
          %dma_start3A_108 = arith.constant 0 : i32
          %dma_start3A_109 = arith.constant 0 : i32
          %dma_start3A_110 = arith.constant 0 : i32
          %dma_start3A_111 = tpu.memref_slice %arg8[%dma_start3A_108, %dma_start3A_109, %dma_start3A_110] : memref<2x128x128xf32, #tpu.memory_space<vmem>> -> memref<1x128x128xf32, #tpu.memory_space<vmem>>
          %dma_start3A_112 = tpu.memref_squeeze %dma_start3A_111 : memref<1x128x128xf32, #tpu.memory_space<vmem>> -> memref<128x128xf32, #tpu.memory_space<vmem>>
          %dma_start3A_113 = arith.constant 0 : i32
          %dma_start3A_114 = tpu.memref_slice %arg6[%add3A_107, %dma_start3A_113] : memref<40x128xi32, #tpu.memory_space<vmem>> -> memref<1x128xi32, #tpu.memory_space<vmem>>
          %dma_start3A_115 = tpu.memref_squeeze %dma_start3A_114 : memref<1x128xi32, #tpu.memory_space<vmem>> -> memref<128xi32, #tpu.memory_space<vmem>>
          %dma_start3A_116 = arith.constant 0 : i32
          %dma_start3A_117 = arith.constant 0 : i32
          %dma_start3A_118 = tpu.memref_slice %arg2[%dma_start3A_116, %dma_start3A_117] : memref<10000x128xf32, #tpu.memory_space<hbm>> -> memref<10000x128xf32, #tpu.memory_space<hbm>>
          tpu.enqueue_indirect_dma source(%dma_start3A_118 : memref<10000x128xf32, #tpu.memory_space<hbm>>) target(%dma_start3A_112 : memref<128x128xf32, #tpu.memory_space<vmem>>) offsets(%dma_start3A_115 : memref<128xi32, #tpu.memory_space<vmem>>) semaphore(%arg9 : memref<!tpu.dma_semaphore, #tpu.memory_space<semaphore_mem>>)
        } else {
        }
        %dma_wait3A_93 = arith.constant 1 : i32
        %dma_wait3A_94 = arith.constant 0 : i32
        %dma_wait3A_95 = arith.constant 0 : i32
        %dma_wait3A_96 = tpu.memref_slice %arg8[%dma_wait3A_93, %dma_wait3A_94, %dma_wait3A_95] : memref<2x128x128xf32, #tpu.memory_space<vmem>> -> memref<1x128x128xf32, #tpu.memory_space<vmem>>
        %dma_wait3A_97 = tpu.memref_squeeze %dma_wait3A_96 : memref<1x128x128xf32, #tpu.memory_space<vmem>> -> memref<128x128xf32, #tpu.memory_space<vmem>>
        %dma_wait3A_98 = arith.constant 0 : i32
        %dma_wait3A_99 = tpu.memref_slice %arg6[%add3A_90, %dma_wait3A_98] : memref<40x128xi32, #tpu.memory_space<vmem>> -> memref<1x128xi32, #tpu.memory_space<vmem>>
        %dma_wait3A_100 = tpu.memref_squeeze %dma_wait3A_99 : memref<1x128xi32, #tpu.memory_space<vmem>> -> memref<128xi32, #tpu.memory_space<vmem>>
        %dma_wait3A_101 = arith.constant 0 : i32
        %dma_wait3A_102 = arith.constant 0 : i32
        %dma_wait3A_103 = tpu.memref_slice %arg2[%dma_wait3A_101, %dma_wait3A_102] : memref<10000x128xf32, #tpu.memory_space<hbm>> -> memref<10000x128xf32, #tpu.memory_space<hbm>>
        tpu.wait_indirect_dma semaphore(%arg10 : memref<!tpu.dma_semaphore, #tpu.memory_space<semaphore_mem>>) src(%dma_wait3A_103 : memref<10000x128xf32, #tpu.memory_space<hbm>>) dst(%dma_wait3A_97 : memref<128x128xf32, #tpu.memory_space<vmem>>)
        %run_scoped3A_104 = arith.constant 1 : i32
        "tpu.region"() ({
          %run_scoped3A_106 = tpu.sem_alloc : memref<!tpu.dma_semaphore, #tpu.memory_space<semaphore_mem>>
          %dma_start3A_107 = arith.constant 0 : i32
          %dma_start3A_108 = arith.constant 0 : i32
          %dma_start3A_109 = tpu.memref_slice %arg8[%run_scoped3A_104, %dma_start3A_107, %dma_start3A_108] : memref<2x128x128xf32, #tpu.memory_space<vmem>> -> memref<1x128x128xf32, #tpu.memory_space<vmem>>
          %dma_start3A_110 = tpu.memref_squeeze %dma_start3A_109 : memref<1x128x128xf32, #tpu.memory_space<vmem>> -> memref<128x128xf32, #tpu.memory_space<vmem>>
          %dma_start3A_111 = arith.constant 0 : i32
          %dma_start3A_112 = tpu.memref_slice %arg7[%add3A_90, %dma_start3A_111] : memref<40x128xi32, #tpu.memory_space<vmem>> -> memref<1x128xi32, #tpu.memory_space<vmem>>
          %dma_start3A_113 = tpu.memref_squeeze %dma_start3A_112 : memref<1x128xi32, #tpu.memory_space<vmem>> -> memref<128xi32, #tpu.memory_space<vmem>>
          %dma_start3A_114 = arith.constant 0 : i32
          %dma_start3A_115 = arith.constant 0 : i32
          %dma_start3A_116 = tpu.memref_slice %arg11[%dma_start3A_114, %dma_start3A_115] : memref<10240x128xf32, #tpu.memory_space<vmem_shared>> -> memref<10240x128xf32, #tpu.memory_space<vmem_shared>>
          tpu.enqueue_indirect_dma source(%dma_start3A_110 : memref<128x128xf32, #tpu.memory_space<vmem>>) target(%dma_start3A_116 : memref<10240x128xf32, #tpu.memory_space<vmem_shared>>) offsets(%dma_start3A_113 : memref<128xi32, #tpu.memory_space<vmem>>) semaphore(%run_scoped3A_106 : memref<!tpu.dma_semaphore, #tpu.memory_space<semaphore_mem>>) {add = true}
          %dma_wait3A_117 = arith.constant 0 : i32
          %dma_wait3A_118 = arith.constant 0 : i32
          %dma_wait3A_119 = tpu.memref_slice %arg8[%run_scoped3A_104, %dma_wait3A_117, %dma_wait3A_118] : memref<2x128x128xf32, #tpu.memory_space<vmem>> -> memref<1x128x128xf32, #tpu.memory_space<vmem>>
          %dma_wait3A_120 = tpu.memref_squeeze %dma_wait3A_119 : memref<1x128x128xf32, #tpu.memory_space<vmem>> -> memref<128x128xf32, #tpu.memory_space<vmem>>
          %dma_wait3A_121 = arith.constant 0 : i32
          %dma_wait3A_122 = tpu.memref_slice %arg7[%add3A_90, %dma_wait3A_121] : memref<40x128xi32, #tpu.memory_space<vmem>> -> memref<1x128xi32, #tpu.memory_space<vmem>>
          %dma_wait3A_123 = tpu.memref_squeeze %dma_wait3A_122 : memref<1x128xi32, #tpu.memory_space<vmem>> -> memref<128xi32, #tpu.memory_space<vmem>>
          %dma_wait3A_124 = arith.constant 0 : i32
          %dma_wait3A_125 = arith.constant 0 : i32
          %dma_wait3A_126 = tpu.memref_slice %arg11[%dma_wait3A_124, %dma_wait3A_125] : memref<10240x128xf32, #tpu.memory_space<vmem_shared>> -> memref<10240x128xf32, #tpu.memory_space<vmem_shared>>
          tpu.wait_indirect_dma semaphore(%run_scoped3A_106 : memref<!tpu.dma_semaphore, #tpu.memory_space<semaphore_mem>>) src(%dma_wait3A_120 : memref<128x128xf32, #tpu.memory_space<vmem>>) dst(%dma_wait3A_126 : memref<10240x128xf32, #tpu.memory_space<vmem_shared>>)
          tpu.yield
        }) : () -> ()
        %scan3A_105 = arith.constant 0 : i32
        scf.yield %scan3A_105 : i32
      }
      %scan3A_56 = arith.constant 20 : i32
      %scan3A_57 = arith.constant 0 : i32
      scf.yield %scan3A_57 : i32
    }
    %scan3A_22 = arith.constant 2 : i32
    %barrier3A_23 = arith.constant 0 : index
    tpu.barrier barrier_id(%barrier3A_23)
    %mul3A_24 = arith.constant 640 : i32
    %mul3A_25 = arith.muli %arg1, %mul3A_24 : i32
    %mul3A_26 = arith.constant 10240 : i32
    %mul3A_27 = arith.muli %arg0, %mul3A_26 : i32
    %mul3A_28 = arith.constant 640 : i32
    %mul3A_29 = arith.muli %arg1, %mul3A_28 : i32
    %add3A_30 = arith.addi %mul3A_27, %mul3A_29 : i32
    "tpu.region"() ({
      %run_scoped3A = tpu.sem_alloc : memref<!tpu.dma_semaphore, #tpu.memory_space<semaphore_mem>>
      %dma_start3A = arith.constant 0 : i32
      %dma_start3A_31 = tpu.memref_slice %arg5[%add3A_30, %dma_start3A] : memref<20480x128xf32, #tpu.memory_space<hbm>> -> memref<640x128xf32, #tpu.memory_space<hbm>>
      %dma_start3A_32 = arith.constant 0 : i32
      %dma_start3A_33 = tpu.memref_slice %arg11[%mul3A_25, %dma_start3A_32] : memref<10240x128xf32, #tpu.memory_space<vmem_shared>> -> memref<640x128xf32, #tpu.memory_space<vmem_shared>>
      tpu.enqueue_dma source(%dma_start3A_33 : memref<640x128xf32, #tpu.memory_space<vmem_shared>>) target(%dma_start3A_31 : memref<640x128xf32, #tpu.memory_space<hbm>>) target_semaphore(%run_scoped3A : memref<!tpu.dma_semaphore, #tpu.memory_space<semaphore_mem>>)
      %dma_wait3A = arith.constant 0 : i32
      %dma_wait3A_34 = tpu.memref_slice %arg5[%add3A_30, %dma_wait3A] : memref<20480x128xf32, #tpu.memory_space<hbm>> -> memref<640x128xf32, #tpu.memory_space<hbm>>
      %dma_wait3A_35 = arith.constant 0 : i32
      %dma_wait3A_36 = tpu.memref_slice %arg11[%mul3A_25, %dma_wait3A_35] : memref<10240x128xf32, #tpu.memory_space<vmem_shared>> -> memref<640x128xf32, #tpu.memory_space<vmem_shared>>
      tpu.wait_dma2 semaphore(%run_scoped3A : memref<!tpu.dma_semaphore, #tpu.memory_space<semaphore_mem>>) src(%dma_wait3A_36 : memref<640x128xf32, #tpu.memory_space<vmem_shared>>) dst(%dma_wait3A_34 : memref<640x128xf32, #tpu.memory_space<hbm>>)
      tpu.yield
    }) : () -> ()
    return
  }
}

#map = affine_map<(d0, d1) -> (0, 0)>
#map1 = affine_map<(d0, d1) -> (0)>
module attributes {stable_mosaic.version = 14 : i64} {
  func.func @_hist_body(%arg0: i32, %arg1: i32, %arg2: memref<2560x128xi32, #tpu.memory_space<hbm>>, %arg3: memref<20480xf32, #tpu.memory_space<hbm>>, %arg4: memref<80x128xi32, #tpu.memory_space<vmem>>, %arg5: memref<128xf32, #tpu.memory_space<vmem>>, %arg6: memref<640xf32, #tpu.memory_space<vmem>>, %arg7: memref<10240xf32, #tpu.memory_space<vmem_shared>>) attributes {dimension_semantics = [#tpu.dimension_semantics<core_parallel>, #tpu.dimension_semantics<subcore_parallel>], iteration_bounds = array<i64: 2, 16>, scalar_prefetch = 0 : i64, scratch_operands = 4 : i64, tpu.core_type = #tpu.core_type<sc_vector_subcore>, window_params = [{transform_indices = #map}, {transform_indices = #map1}]} {
    %mul3A = arith.constant 2 : i32
    %mul3A_0 = arith.muli %arg1, %mul3A : i32
    %add3A = arith.addi %mul3A_0, %arg0 : i32
    %scan3A = arith.constant 0 : i32
    %scan3A_1 = arith.constant 0 : i32
    %scan3A_2 = arith.constant 8 : i32
    %scan3A_3 = arith.addi %scan3A_1, %scan3A_2 : i32
    %scan3A_4 = arith.constant 1 : i32
    %scan3A_5 = scf.for %scan3A_33 = %scan3A_1 to %scan3A_3 step %scan3A_4 iter_args(%scan3A_34 = %scan3A) -> (i32)  : i32 {
      %broadcast_in_dim3A = arith.constant 1.000000e+00 : f32
      %broadcast_in_dim3A_35 = vector.broadcast %broadcast_in_dim3A : f32 to vector<16xf32>
      %mul3A_36 = arith.constant 16 : i32
      %mul3A_37 = arith.muli %scan3A_33, %mul3A_36 : i32
      %swap3A = arith.index_cast %mul3A_37 : i32 to index
      %swap3A_38 = tpu.vector_load %arg5[%swap3A] {strides = array<i32>} : memref<128xf32, #tpu.memory_space<vmem>>, vector<16xf32>,
      %swap3A_39 = vector.shape_cast %swap3A_38 : vector<16xf32> to vector<16xf32>
      %swap3A_40 = vector.shape_cast %broadcast_in_dim3A_35 : vector<16xf32> to vector<16xf32>
      tpu.vector_store %arg5[%swap3A], %swap3A_40 {strides = array<i32>} : memref<128xf32, #tpu.memory_space<vmem>>, vector<16xf32>,
      %scan3A_41 = arith.constant 0 : i32
      scf.yield %scan3A_41 : i32
    }
    %scan3A_6 = arith.constant 8 : i32
    %scan3A_7 = arith.constant 0 : i32
    %scan3A_8 = arith.constant 0 : i32
    %scan3A_9 = arith.constant 40 : i32
    %scan3A_10 = arith.addi %scan3A_8, %scan3A_9 : i32
    %scan3A_11 = arith.constant 1 : i32
    %scan3A_12 = scf.for %scan3A_33 = %scan3A_8 to %scan3A_10 step %scan3A_11 iter_args(%scan3A_34 = %scan3A_7) -> (i32)  : i32 {
      %broadcast_in_dim3A = arith.constant 0.000000e+00 : f32
      %broadcast_in_dim3A_35 = vector.broadcast %broadcast_in_dim3A : f32 to vector<16xf32>
      %mul3A_36 = arith.constant 16 : i32
      %mul3A_37 = arith.muli %scan3A_33, %mul3A_36 : i32
      %swap3A = arith.index_cast %mul3A_37 : i32 to index
      %swap3A_38 = tpu.vector_load %arg6[%swap3A] {strides = array<i32>} : memref<640xf32, #tpu.memory_space<vmem>>, vector<16xf32>,
      %swap3A_39 = vector.shape_cast %swap3A_38 : vector<16xf32> to vector<16xf32>
      %swap3A_40 = vector.shape_cast %broadcast_in_dim3A_35 : vector<16xf32> to vector<16xf32>
      tpu.vector_store %arg6[%swap3A], %swap3A_40 {strides = array<i32>} : memref<640xf32, #tpu.memory_space<vmem>>, vector<16xf32>,
      %scan3A_41 = arith.constant 0 : i32
      scf.yield %scan3A_41 : i32
    }
    %scan3A_13 = arith.constant 40 : i32
    %mul3A_14 = arith.constant 640 : i32
    %mul3A_15 = arith.muli %arg1, %mul3A_14 : i32
    "tpu.region"() ({
      %run_scoped3A = tpu.sem_alloc : memref<!tpu.dma_semaphore, #tpu.memory_space<semaphore_mem>>
      %dma_start3A = tpu.memref_slice %arg7[%mul3A_15] : memref<10240xf32, #tpu.memory_space<vmem_shared>> -> memref<640xf32, #tpu.memory_space<vmem_shared>>
      %dma_start3A_33 = tpu.memref_slice %arg7[%mul3A_15] : memref<10240xf32, #tpu.memory_space<vmem_shared>> -> memref<640xf32, #tpu.memory_space<vmem_shared>>
      tpu.enqueue_dma source(%arg6 : memref<640xf32, #tpu.memory_space<vmem>>) target(%dma_start3A_33 : memref<640xf32, #tpu.memory_space<vmem_shared>>) target_semaphore(%run_scoped3A : memref<!tpu.dma_semaphore, #tpu.memory_space<semaphore_mem>>)
      %dma_wait3A = tpu.memref_slice %arg7[%mul3A_15] : memref<10240xf32, #tpu.memory_space<vmem_shared>> -> memref<640xf32, #tpu.memory_space<vmem_shared>>
      %dma_wait3A_34 = tpu.memref_slice %arg7[%mul3A_15] : memref<10240xf32, #tpu.memory_space<vmem_shared>> -> memref<640xf32, #tpu.memory_space<vmem_shared>>
      tpu.wait_dma2 semaphore(%run_scoped3A : memref<!tpu.dma_semaphore, #tpu.memory_space<semaphore_mem>>) src(%arg6 : memref<640xf32, #tpu.memory_space<vmem>>) dst(%dma_wait3A_34 : memref<640xf32, #tpu.memory_space<vmem_shared>>)
      tpu.yield
    }) : () -> ()
    %barrier3A = arith.constant 0 : index
    tpu.barrier barrier_id(%barrier3A)
    %mul3A_16 = arith.constant 80 : i32
    %mul3A_17 = arith.muli %add3A, %mul3A_16 : i32
    "tpu.region"() ({
      %run_scoped3A = tpu.sem_alloc : memref<!tpu.dma_semaphore, #tpu.memory_space<semaphore_mem>>
      %dma_start3A = arith.constant 0 : i32
      %dma_start3A_33 = tpu.memref_slice %arg2[%mul3A_17, %dma_start3A] : memref<2560x128xi32, #tpu.memory_space<hbm>> -> memref<80x128xi32, #tpu.memory_space<hbm>>
      %dma_start3A_34 = arith.constant 0 : i32
      %dma_start3A_35 = tpu.memref_slice %arg2[%mul3A_17, %dma_start3A_34] : memref<2560x128xi32, #tpu.memory_space<hbm>> -> memref<80x128xi32, #tpu.memory_space<hbm>>
      tpu.enqueue_dma source(%dma_start3A_35 : memref<80x128xi32, #tpu.memory_space<hbm>>) target(%arg4 : memref<80x128xi32, #tpu.memory_space<vmem>>) target_semaphore(%run_scoped3A : memref<!tpu.dma_semaphore, #tpu.memory_space<semaphore_mem>>)
      %dma_wait3A = arith.constant 0 : i32
      %dma_wait3A_36 = tpu.memref_slice %arg2[%mul3A_17, %dma_wait3A] : memref<2560x128xi32, #tpu.memory_space<hbm>> -> memref<80x128xi32, #tpu.memory_space<hbm>>
      %dma_wait3A_37 = arith.constant 0 : i32
      %dma_wait3A_38 = tpu.memref_slice %arg2[%mul3A_17, %dma_wait3A_37] : memref<2560x128xi32, #tpu.memory_space<hbm>> -> memref<80x128xi32, #tpu.memory_space<hbm>>
      tpu.wait_dma2 semaphore(%run_scoped3A : memref<!tpu.dma_semaphore, #tpu.memory_space<semaphore_mem>>) src(%dma_wait3A_38 : memref<80x128xi32, #tpu.memory_space<hbm>>) dst(%arg4 : memref<80x128xi32, #tpu.memory_space<vmem>>)
      tpu.yield
    }) : () -> ()
    %scan3A_18 = arith.constant 0 : i32
    %scan3A_19 = arith.constant 0 : i32
    %scan3A_20 = arith.constant 80 : i32
    %scan3A_21 = arith.addi %scan3A_19, %scan3A_20 : i32
    %scan3A_22 = arith.constant 1 : i32
    %scan3A_23 = scf.for %scan3A_33 = %scan3A_19 to %scan3A_21 step %scan3A_22 iter_args(%scan3A_34 = %scan3A_18) -> (i32)  : i32 {
      "tpu.region"() ({
        %run_scoped3A = tpu.sem_alloc : memref<!tpu.dma_semaphore, #tpu.memory_space<semaphore_mem>>
        %dma_start3A = arith.constant 0 : i32
        %dma_start3A_36 = tpu.memref_slice %arg4[%scan3A_33, %dma_start3A] : memref<80x128xi32, #tpu.memory_space<vmem>> -> memref<1x128xi32, #tpu.memory_space<vmem>>
        %dma_start3A_37 = tpu.memref_squeeze %dma_start3A_36 : memref<1x128xi32, #tpu.memory_space<vmem>> -> memref<128xi32, #tpu.memory_space<vmem>>
        %dma_start3A_38 = arith.constant 0 : i32
        %dma_start3A_39 = tpu.memref_slice %arg7[%dma_start3A_38] : memref<10240xf32, #tpu.memory_space<vmem_shared>> -> memref<10240xf32, #tpu.memory_space<vmem_shared>>
        tpu.enqueue_indirect_dma source(%arg5 : memref<128xf32, #tpu.memory_space<vmem>>) target(%dma_start3A_39 : memref<10240xf32, #tpu.memory_space<vmem_shared>>) offsets(%dma_start3A_37 : memref<128xi32, #tpu.memory_space<vmem>>) semaphore(%run_scoped3A : memref<!tpu.dma_semaphore, #tpu.memory_space<semaphore_mem>>) {add = true}
        %dma_wait3A = arith.constant 0 : i32
        %dma_wait3A_40 = tpu.memref_slice %arg4[%scan3A_33, %dma_wait3A] : memref<80x128xi32, #tpu.memory_space<vmem>> -> memref<1x128xi32, #tpu.memory_space<vmem>>
        %dma_wait3A_41 = tpu.memref_squeeze %dma_wait3A_40 : memref<1x128xi32, #tpu.memory_space<vmem>> -> memref<128xi32, #tpu.memory_space<vmem>>
        %dma_wait3A_42 = arith.constant 0 : i32
        %dma_wait3A_43 = tpu.memref_slice %arg7[%dma_wait3A_42] : memref<10240xf32, #tpu.memory_space<vmem_shared>> -> memref<10240xf32, #tpu.memory_space<vmem_shared>>
        tpu.wait_indirect_dma semaphore(%run_scoped3A : memref<!tpu.dma_semaphore, #tpu.memory_space<semaphore_mem>>) src(%arg5 : memref<128xf32, #tpu.memory_space<vmem>>) dst(%dma_wait3A_43 : memref<10240xf32, #tpu.memory_space<vmem_shared>>)
        tpu.yield
      }) : () -> ()
      %scan3A_35 = arith.constant 0 : i32
      scf.yield %scan3A_35 : i32
    }
    %scan3A_24 = arith.constant 80 : i32
    %barrier3A_25 = arith.constant 0 : index
    tpu.barrier barrier_id(%barrier3A_25)
    %mul3A_26 = arith.constant 640 : i32
    %mul3A_27 = arith.muli %arg1, %mul3A_26 : i32
    %mul3A_28 = arith.constant 10240 : i32
    %mul3A_29 = arith.muli %arg0, %mul3A_28 : i32
    %mul3A_30 = arith.constant 640 : i32
    %mul3A_31 = arith.muli %arg1, %mul3A_30 : i32
    %add3A_32 = arith.addi %mul3A_29, %mul3A_31 : i32
    "tpu.region"() ({
      %run_scoped3A = tpu.sem_alloc : memref<!tpu.dma_semaphore, #tpu.memory_space<semaphore_mem>>
      %dma_start3A = tpu.memref_slice %arg3[%add3A_32] : memref<20480xf32, #tpu.memory_space<hbm>> -> memref<640xf32, #tpu.memory_space<hbm>>
      %dma_start3A_33 = tpu.memref_slice %arg7[%mul3A_27] : memref<10240xf32, #tpu.memory_space<vmem_shared>> -> memref<640xf32, #tpu.memory_space<vmem_shared>>
      tpu.enqueue_dma source(%dma_start3A_33 : memref<640xf32, #tpu.memory_space<vmem_shared>>) target(%dma_start3A : memref<640xf32, #tpu.memory_space<hbm>>) target_semaphore(%run_scoped3A : memref<!tpu.dma_semaphore, #tpu.memory_space<semaphore_mem>>)
      %dma_wait3A = tpu.memref_slice %arg3[%add3A_32] : memref<20480xf32, #tpu.memory_space<hbm>> -> memref<640xf32, #tpu.memory_space<hbm>>
      %dma_wait3A_34 = tpu.memref_slice %arg7[%mul3A_27] : memref<10240xf32, #tpu.memory_space<vmem_shared>> -> memref<640xf32, #tpu.memory_space<vmem_shared>>
      tpu.wait_dma2 semaphore(%run_scoped3A : memref<!tpu.dma_semaphore, #tpu.memory_space<semaphore_mem>>) src(%dma_wait3A_34 : memref<640xf32, #tpu.memory_space<vmem_shared>>) dst(%dma_wait3A : memref<640xf32, #tpu.memory_space<hbm>>)
      tpu.yield
    }) : () -> ()
    return
  }
}

module attributes {stable_mosaic.version = 14 : i64} {
  func.func @_tc_a_body(%arg0: i32, %arg1: memref<1000x128xf32, #tpu.memory_space<vmem>>, %arg2: memref<128x256xf32, #tpu.memory_space<vmem>>, %arg3: memref<1000x2xf32, #tpu.memory_space<vmem>>, %arg4: memref<2x1000x128xf32, #tpu.memory_space<vmem>>, %arg5: memref<1000x1xf32, #tpu.memory_space<vmem>>) attributes {dimension_semantics = [#tpu.dimension_semantics<arbitrary>], iteration_bounds = array<i64: 10>, scalar_prefetch = 0 : i64, scratch_operands = 0 : i64, tpu.core_type = #tpu.core_type<tc>, window_params = [{transform_indices = @transform_0, window_bounds = array<i64: 1000, 128>}, {pipeline_mode = #tpu.pipeline_mode<synchronous>, transform_indices = @transform_1, window_bounds = array<i64: 128, 256>}, {transform_indices = @transform_2, window_bounds = array<i64: 1000, 2>}, {transform_indices = @transform_3, window_bounds = array<i64: 2, 1000, 128>}, {transform_indices = @transform_4, window_bounds = array<i64: 1000, 1>}]} {
    %get3A = arith.constant 0 : index
    %get3A_0 = arith.constant 0 : index
    %get3A_1 = vector.load %arg3[%get3A, %get3A_0] : memref<1000x2xf32, #tpu.memory_space<vmem>>, vector<1000x1xf32>
    %get3A_2 = arith.constant 0 : index
    %get3A_3 = arith.constant 1 : index
    %get3A_4 = vector.load %arg3[%get3A_2, %get3A_3] : memref<1000x2xf32, #tpu.memory_space<vmem>>, vector<1000x1xf32>
    %add3A = arith.addf %get3A_1, %get3A_4 : vector<1000x1xf32>
    %add3A_5 = arith.constant 1.000000e+00 : f32
    %add3A_6 = vector.broadcast %add3A_5 : f32 to vector<1000x1xf32>
    %add3A_7 = arith.addf %add3A, %add3A_6 : vector<1000x1xf32>
    %rsqrt3A = math.rsqrt %add3A_7 : vector<1000x1xf32>
    %swap3A = arith.constant 0 : index
    %swap3A_8 = arith.constant 0 : index
    %swap3A_9 = vector.load %arg5[%swap3A, %swap3A_8] : memref<1000x1xf32, #tpu.memory_space<vmem>>, vector<1000x1xf32>
    tpu.vector_store %arg5[%swap3A, %swap3A_8], %rsqrt3A {strides = array<i32>} : memref<1000x1xf32, #tpu.memory_space<vmem>>, vector<1000x1xf32>,
    %get3A_10 = arith.constant 0 : index
    %get3A_11 = arith.constant 0 : index
    %get3A_12 = vector.load %arg1[%get3A_10, %get3A_11] : memref<1000x128xf32, #tpu.memory_space<vmem>>, vector<1000x128xf32>
    %get3A_13 = arith.constant 0 : index
    %get3A_14 = arith.constant 0 : index
    %get3A_15 = vector.load %arg2[%get3A_13, %get3A_14] : memref<128x256xf32, #tpu.memory_space<vmem>>, vector<128x256xf32>
    %dot_general3A = arith.constant dense<0.000000e+00> : vector<1000x256xf32>
    %dot_general3A_16 = tpu.matmul %get3A_12, %get3A_15, %dot_general3A {dimension_numbers = #tpu.dot_dimension_numbers<[1], [0], [0], [1], [0, 0, 1, 1], [], []>, transpose_lhs_hint = false} : vector<1000x128xf32>, vector<128x256xf32>, vector<1000x256xf32> -> vector<1000x256xf32>
    %mul3A = vector.broadcast %rsqrt3A : vector<1000x1xf32> to vector<1000x256xf32>
    %mul3A_17 = arith.mulf %dot_general3A_16, %mul3A : vector<1000x256xf32>
    %slice3A = vector.extract_strided_slice %mul3A_17 {offsets = [0, 0], sizes = [1000, 128], strides = [1, 1]} : vector<1000x256xf32> to vector<1000x128xf32>
    %swap3A_18 = arith.constant 0 : index
    %swap3A_19 = arith.constant 0 : index
    %swap3A_20 = arith.constant 0 : index
    %swap3A_21 = vector.load %arg4[%swap3A_18, %swap3A_19, %swap3A_20] : memref<2x1000x128xf32, #tpu.memory_space<vmem>>, vector<1x1000x128xf32>
    %swap3A_22 = vector.shape_cast %swap3A_21 : vector<1x1000x128xf32> to vector<1000x128xf32>
    %swap3A_23 = vector.shape_cast %slice3A : vector<1000x128xf32> to vector<1x1000x128xf32>
    tpu.vector_store %arg4[%swap3A_18, %swap3A_19, %swap3A_20], %swap3A_23 {strides = array<i32>} : memref<2x1000x128xf32, #tpu.memory_space<vmem>>, vector<1x1000x128xf32>,
    %slice3A_24 = vector.extract_strided_slice %mul3A_17 {offsets = [0, 128], sizes = [1000, 128], strides = [1, 1]} : vector<1000x256xf32> to vector<1000x128xf32>
    %swap3A_25 = arith.constant 1 : index
    %swap3A_26 = arith.constant 0 : index
    %swap3A_27 = arith.constant 0 : index
    %swap3A_28 = vector.load %arg4[%swap3A_25, %swap3A_26, %swap3A_27] : memref<2x1000x128xf32, #tpu.memory_space<vmem>>, vector<1x1000x128xf32>
    %swap3A_29 = vector.shape_cast %swap3A_28 : vector<1x1000x128xf32> to vector<1000x128xf32>
    %swap3A_30 = vector.shape_cast %slice3A_24 : vector<1000x128xf32> to vector<1x1000x128xf32>
    tpu.vector_store %arg4[%swap3A_25, %swap3A_26, %swap3A_27], %swap3A_30 {strides = array<i32>} : memref<2x1000x128xf32, #tpu.memory_space<vmem>>, vector<1x1000x128xf32>,
    return
  }
  func.func @transform_0(%arg0: i32) -> (i32, i32) {
    %c0_i32 = arith.constant 0 : i32
    %c0_i32_0 = arith.constant 0 : i32
    return %arg0, %c0_i32 : i32, i32
  }
  func.func @transform_1(%arg0: i32) -> (i32, i32) {
    %c0_i32 = arith.constant 0 : i32
    %c0_i32_0 = arith.constant 0 : i32
    %c0_i32_1 = arith.constant 0 : i32
    return %c0_i32, %c0_i32_0 : i32, i32
  }
  func.func @transform_2(%arg0: i32) -> (i32, i32) {
    %c0_i32 = arith.constant 0 : i32
    %c0_i32_0 = arith.constant 0 : i32
    return %arg0, %c0_i32 : i32, i32
  }
  func.func @transform_3(%arg0: i32) -> (i32, i32, i32) {
    %c0_i32 = arith.constant 0 : i32
    %c0_i32_0 = arith.constant 0 : i32
    %c0_i32_1 = arith.constant 0 : i32
    return %c0_i32, %arg0, %c0_i32_0 : i32, i32, i32
  }
  func.func @transform_4(%arg0: i32) -> (i32, i32) {
    %c0_i32 = arith.constant 0 : i32
    %c0_i32_0 = arith.constant 0 : i32
    return %arg0, %c0_i32 : i32, i32
  }
}

module attributes {stable_mosaic.version = 14 : i64} {
  func.func @_tc_b_body(%arg0: i32, %arg1: memref<2x1000x128xf32, #tpu.memory_space<vmem>>, %arg2: memref<2x1000x128xf32, #tpu.memory_space<vmem>>, %arg3: memref<1000x1xf32, #tpu.memory_space<vmem>>, %arg4: memref<1x256xf32, #tpu.memory_space<vmem>>, %arg5: memref<256x128xf32, #tpu.memory_space<vmem>>, %arg6: memref<1000x128xf32, #tpu.memory_space<vmem>>) attributes {dimension_semantics = [#tpu.dimension_semantics<arbitrary>], iteration_bounds = array<i64: 10>, scalar_prefetch = 0 : i64, scratch_operands = 0 : i64, tpu.core_type = #tpu.core_type<tc>, window_params = [{transform_indices = @transform_0, window_bounds = array<i64: 2, 1000, 128>}, {transform_indices = @transform_1, window_bounds = array<i64: 2, 1000, 128>}, {transform_indices = @transform_2, window_bounds = array<i64: 1000, 1>}, {pipeline_mode = #tpu.pipeline_mode<synchronous>, transform_indices = @transform_3, window_bounds = array<i64: 1, 256>}, {pipeline_mode = #tpu.pipeline_mode<synchronous>, transform_indices = @transform_4, window_bounds = array<i64: 256, 128>}, {transform_indices = @transform_5, window_bounds = array<i64: 1000, 128>}]} {
    %get3A = arith.constant 0 : index
    %get3A_0 = arith.constant 0 : index
    %get3A_1 = arith.constant 0 : index
    %get3A_2 = vector.load %arg1[%get3A, %get3A_0, %get3A_1] : memref<2x1000x128xf32, #tpu.memory_space<vmem>>, vector<1x1000x128xf32>
    %get3A_3 = vector.shape_cast %get3A_2 : vector<1x1000x128xf32> to vector<1000x128xf32>
    %get3A_4 = arith.constant 0 : index
    %get3A_5 = arith.constant 0 : index
    %get3A_6 = arith.constant 0 : index
    %get3A_7 = vector.load %arg2[%get3A_4, %get3A_5, %get3A_6] : memref<2x1000x128xf32, #tpu.memory_space<vmem>>, vector<1x1000x128xf32>
    %get3A_8 = vector.shape_cast %get3A_7 : vector<1x1000x128xf32> to vector<1000x128xf32>
    %add3A = arith.addf %get3A_3, %get3A_8 : vector<1000x128xf32>
    %get3A_9 = arith.constant 1 : index
    %get3A_10 = arith.constant 0 : index
    %get3A_11 = arith.constant 0 : index
    %get3A_12 = vector.load %arg1[%get3A_9, %get3A_10, %get3A_11] : memref<2x1000x128xf32, #tpu.memory_space<vmem>>, vector<1x1000x128xf32>
    %get3A_13 = vector.shape_cast %get3A_12 : vector<1x1000x128xf32> to vector<1000x128xf32>
    %get3A_14 = arith.constant 1 : index
    %get3A_15 = arith.constant 0 : index
    %get3A_16 = arith.constant 0 : index
    %get3A_17 = vector.load %arg2[%get3A_14, %get3A_15, %get3A_16] : memref<2x1000x128xf32, #tpu.memory_space<vmem>>, vector<1x1000x128xf32>
    %get3A_18 = vector.shape_cast %get3A_17 : vector<1x1000x128xf32> to vector<1000x128xf32>
    %add3A_19 = arith.addf %get3A_13, %get3A_18 : vector<1000x128xf32>
    %concatenate3A = tpu.concatenate %add3A, %add3A_19 in 1 : vector<1000x128xf32>, vector<1000x128xf32> -> vector<1000x256xf32>
    %get3A_20 = arith.constant 0 : index
    %get3A_21 = arith.constant 0 : index
    %get3A_22 = vector.load %arg3[%get3A_20, %get3A_21] : memref<1000x1xf32, #tpu.memory_space<vmem>>, vector<1000x1xf32>
    %mul3A = vector.broadcast %get3A_22 : vector<1000x1xf32> to vector<1000x256xf32>
    %mul3A_23 = arith.mulf %concatenate3A, %mul3A : vector<1000x256xf32>
    %get3A_24 = arith.constant 0 : index
    %get3A_25 = arith.constant 0 : index
    %get3A_26 = vector.load %arg4[%get3A_24, %get3A_25] : memref<1x256xf32, #tpu.memory_space<vmem>>, vector<1x256xf32>
    %add3A_27 = vector.broadcast %get3A_26 : vector<1x256xf32> to vector<1000x256xf32>
    %add3A_28 = arith.addf %mul3A_23, %add3A_27 : vector<1000x256xf32>
    %max3A = arith.constant 0.000000e+00 : f32
    %max3A_29 = vector.broadcast %max3A : f32 to vector<1000x256xf32>
    %max3A_30 = arith.maximumf %add3A_28, %max3A_29 : vector<1000x256xf32>
    %get3A_31 = arith.constant 0 : index
    %get3A_32 = arith.constant 0 : index
    %get3A_33 = vector.load %arg5[%get3A_31, %get3A_32] : memref<256x128xf32, #tpu.memory_space<vmem>>, vector<256x128xf32>
    %dot_general3A = arith.constant dense<0.000000e+00> : vector<1000x128xf32>
    %dot_general3A_34 = tpu.matmul %max3A_30, %get3A_33, %dot_general3A {dimension_numbers = #tpu.dot_dimension_numbers<[1], [0], [0], [1], [0, 0, 1, 1], [], []>, transpose_lhs_hint = false} : vector<1000x256xf32>, vector<256x128xf32>, vector<1000x128xf32> -> vector<1000x128xf32>
    %mul3A_35 = vector.broadcast %get3A_22 : vector<1000x1xf32> to vector<1000x128xf32>
    %mul3A_36 = arith.mulf %dot_general3A_34, %mul3A_35 : vector<1000x128xf32>
    %swap3A = arith.constant 0 : index
    %swap3A_37 = arith.constant 0 : index
    %swap3A_38 = vector.load %arg6[%swap3A, %swap3A_37] : memref<1000x128xf32, #tpu.memory_space<vmem>>, vector<1000x128xf32>
    tpu.vector_store %arg6[%swap3A, %swap3A_37], %mul3A_36 {strides = array<i32>} : memref<1000x128xf32, #tpu.memory_space<vmem>>, vector<1000x128xf32>,
    return
  }
  func.func @transform_0(%arg0: i32) -> (i32, i32, i32) {
    %c0_i32 = arith.constant 0 : i32
    %c0_i32_0 = arith.constant 0 : i32
    %c0_i32_1 = arith.constant 0 : i32
    return %c0_i32, %arg0, %c0_i32_0 : i32, i32, i32
  }
  func.func @transform_1(%arg0: i32) -> (i32, i32, i32) {
    %c0_i32 = arith.constant 0 : i32
    %c0_i32_0 = arith.constant 0 : i32
    %c0_i32_1 = arith.constant 0 : i32
    return %c0_i32, %arg0, %c0_i32_0 : i32, i32, i32
  }
  func.func @transform_2(%arg0: i32) -> (i32, i32) {
    %c0_i32 = arith.constant 0 : i32
    %c0_i32_0 = arith.constant 0 : i32
    return %arg0, %c0_i32 : i32, i32
  }
  func.func @transform_3(%arg0: i32) -> (i32, i32) {
    %c0_i32 = arith.constant 0 : i32
    %c0_i32_0 = arith.constant 0 : i32
    %c0_i32_1 = arith.constant 0 : i32
    return %c0_i32, %c0_i32_0 : i32, i32
  }
  func.func @transform_4(%arg0: i32) -> (i32, i32) {
    %c0_i32 = arith.constant 0 : i32
    %c0_i32_0 = arith.constant 0 : i32
    %c0_i32_1 = arith.constant 0 : i32
    return %c0_i32, %c0_i32_0 : i32, i32
  }
  func.func @transform_5(%arg0: i32) -> (i32, i32) {
    %c0_i32 = arith.constant 0 : i32
    %c0_i32_0 = arith.constant 0 : i32
    return %arg0, %c0_i32 : i32, i32
  }
}

module attributes {stable_mosaic.version = 14 : i64} {
  func.func @_tc_c_body(%arg0: i32, %arg1: memref<2x1000x128xf32, #tpu.memory_space<vmem>>, %arg2: memref<1000x128xf32, #tpu.memory_space<vmem>>, %arg3: memref<1000x1xf32, #tpu.memory_space<vmem>>, %arg4: memref<1x128xf32, #tpu.memory_space<vmem>>, %arg5: memref<1000x128xf32, #tpu.memory_space<vmem>>) attributes {dimension_semantics = [#tpu.dimension_semantics<arbitrary>], iteration_bounds = array<i64: 10>, scalar_prefetch = 0 : i64, scratch_operands = 0 : i64, tpu.core_type = #tpu.core_type<tc>, window_params = [{transform_indices = @transform_0, window_bounds = array<i64: 2, 1000, 128>}, {transform_indices = @transform_1, window_bounds = array<i64: 1000, 128>}, {transform_indices = @transform_2, window_bounds = array<i64: 1000, 1>}, {pipeline_mode = #tpu.pipeline_mode<synchronous>, transform_indices = @transform_3, window_bounds = array<i64: 1, 128>}, {transform_indices = @transform_4, window_bounds = array<i64: 1000, 128>}]} {
    %get3A = arith.constant 0 : index
    %get3A_0 = arith.constant 0 : index
    %get3A_1 = arith.constant 0 : index
    %get3A_2 = vector.load %arg1[%get3A, %get3A_0, %get3A_1] : memref<2x1000x128xf32, #tpu.memory_space<vmem>>, vector<1x1000x128xf32>
    %get3A_3 = vector.shape_cast %get3A_2 : vector<1x1000x128xf32> to vector<1000x128xf32>
    %get3A_4 = arith.constant 1 : index
    %get3A_5 = arith.constant 0 : index
    %get3A_6 = arith.constant 0 : index
    %get3A_7 = vector.load %arg1[%get3A_4, %get3A_5, %get3A_6] : memref<2x1000x128xf32, #tpu.memory_space<vmem>>, vector<1x1000x128xf32>
    %get3A_8 = vector.shape_cast %get3A_7 : vector<1x1000x128xf32> to vector<1000x128xf32>
    %add3A = arith.addf %get3A_3, %get3A_8 : vector<1000x128xf32>
    %get3A_9 = arith.constant 0 : index
    %get3A_10 = arith.constant 0 : index
    %get3A_11 = vector.load %arg2[%get3A_9, %get3A_10] : memref<1000x128xf32, #tpu.memory_space<vmem>>, vector<1000x128xf32>
    %add3A_12 = arith.addf %add3A, %get3A_11 : vector<1000x128xf32>
    %get3A_13 = arith.constant 0 : index
    %get3A_14 = arith.constant 0 : index
    %get3A_15 = vector.load %arg3[%get3A_13, %get3A_14] : memref<1000x1xf32, #tpu.memory_space<vmem>>, vector<1000x1xf32>
    %mul3A = vector.broadcast %get3A_15 : vector<1000x1xf32> to vector<1000x128xf32>
    %mul3A_16 = arith.mulf %add3A_12, %mul3A : vector<1000x128xf32>
    %get3A_17 = arith.constant 0 : index
    %get3A_18 = arith.constant 0 : index
    %get3A_19 = vector.load %arg4[%get3A_17, %get3A_18] : memref<1x128xf32, #tpu.memory_space<vmem>>, vector<1x128xf32>
    %add3A_20 = vector.broadcast %get3A_19 : vector<1x128xf32> to vector<1000x128xf32>
    %add3A_21 = arith.addf %mul3A_16, %add3A_20 : vector<1000x128xf32>
    %swap3A = arith.constant 0 : index
    %swap3A_22 = arith.constant 0 : index
    %swap3A_23 = vector.load %arg5[%swap3A, %swap3A_22] : memref<1000x128xf32, #tpu.memory_space<vmem>>, vector<1000x128xf32>
    tpu.vector_store %arg5[%swap3A, %swap3A_22], %add3A_21 {strides = array<i32>} : memref<1000x128xf32, #tpu.memory_space<vmem>>, vector<1000x128xf32>,
    return
  }
  func.func @transform_0(%arg0: i32) -> (i32, i32, i32) {
    %c0_i32 = arith.constant 0 : i32
    %c0_i32_0 = arith.constant 0 : i32
    %c0_i32_1 = arith.constant 0 : i32
    return %c0_i32, %arg0, %c0_i32_0 : i32, i32, i32
  }
  func.func @transform_1(%arg0: i32) -> (i32, i32) {
    %c0_i32 = arith.constant 0 : i32
    %c0_i32_0 = arith.constant 0 : i32
    return %arg0, %c0_i32 : i32, i32
  }
  func.func @transform_2(%arg0: i32) -> (i32, i32) {
    %c0_i32 = arith.constant 0 : i32
    %c0_i32_0 = arith.constant 0 : i32
    return %arg0, %c0_i32 : i32, i32
  }
  func.func @transform_3(%arg0: i32) -> (i32, i32) {
    %c0_i32 = arith.constant 0 : i32
    %c0_i32_0 = arith.constant 0 : i32
    %c0_i32_1 = arith.constant 0 : i32
    return %c0_i32, %c0_i32_0 : i32, i32
  }
  func.func @transform_4(%arg0: i32) -> (i32, i32) {
    %c0_i32 = arith.constant 0 : i32
    %c0_i32_0 = arith.constant 0 : i32
    return %arg0, %c0_i32 : i32, i32
  }
}

</mosaic_0001>

<sc_bundles>
// kernel: kernel.11.cloned.1.call-start
scs
__scs_entry_jumppad:
0x0: {  	(pc) =	sbr.rel $0x88, $3  }
0x1: {  	(tag) =	ssettag $0x0;
	lr =	simm.s32 $0x1  }
0x2: {  	[smem:$0x3F9B] =	sst lr;
	_ =	strace $0xD0000000  }
0x3: {  	_ = 	snop  }
0x4: {  	_ = 	snop  }
0x5: {  	_ = 	snop  }
0x6: {  	_ = 	snop  }
0x7: {  	_ = 	snop  }
__scs_overlays_trampoline_lowered:
0x8: {  	[smem:$0x3FAA] =	sst s0  }
0x9: {  	[smem:$0x3FAB] =	sst s1  }
0xa: {  	[smem:$0x3FAC] =	sst s2  }
0xb: {  	[smem:$0x3FAD] =	sst s3  }
0xc: {  	[smem:$0x3FAE] =	sst s4  }
0xd: {  	[smem:$0x3FAF] =	sst s5  }
0xe: {  	[smem:$0x3FB0] =	sst s6  }
0xf: {  	[smem:$0x3FB1] =	sst s7  }
0x10: {  	[smem:$0x3FB2] =	sst s8  }
0x11: {  	[smem:$0x3FB3] =	sst s9;
	s0 =	simm.s32 @!p0 $0x0  }
0x12: {  	s1 =	sld [smem:$0x3F99];
	s0 =	simm.s32 @p0 $0x1  }
0x13: {  	[smem:$0x3FB4] =	sst s0;
	s0 =	simm.s32 @!p1 $0x0  }
0x14: {  	s2 =	sld [smem:$0x3F98];
	s0 =	simm.s32 @p1 $0x1  }
0x15: {  	[smem:$0x3FB5] =	sst s0;
	s0 =	simm.s32 @!p2 $0x0  }
0x16: {  	s3 =	sld [smem:$0x3FDB];
	s0 =	simm.s32 @p2 $0x1  }
0x17: {  	s4 =	simm.s32 $0x1BF5;
	[smem:$0x3FB7] =	sst s0  }
0x18: {  	s0 =	sld [smem:$0x3F9A];
	_ =	swait.ge [sflag:s4], $0x0  }
0x19: {  	s7 =	sld [smem:$0x3F9B]  }
0x1a: {  	s8 =	sadd.s32 $0xFFFFE003, lr  }
0x1b: {  	s9 =	sadd.s32 $0xFFFFFEF7, lr;
	s5 =	simm.s32 $0xFFFFFFFF;
	p2 =	slt.u32 s8, $0xFFFFF086  }
0x1c: {  	p1 =	slt.u32 s9, $0xF7A;
	s5 =	simm.s32 @!p2 $0x0  }
0x1d: {  	s5 =	simm.s32 @p1 $0x1;
	p0 =	seq.s32 s7, s2  }
0x1e: {  	s7 =	smul.u32 @!p0 $0xF7A, s2;
	p2 =	seq.s32 @!p0 s5, $0x0  }
0x1f: {  	s9 =	smul.u32 $0xF7A, s1;
	s8 =	simm.s32 @!p0 $0x1BF5;
	p2 =	por !p2, p0  }
0x20: {  	[sflag:s8] =	ssyncset.s32 @!p0 $0xFFFFF086;
	s6 =	sadd.s32 @!p0 s3, s7;
	s7 =	simm.s32 @!p0 $0x108  }
0x21: {  	s3 =	sadd.s32 s3, s9;
	s6 =	sadd.s32 @!p0 $0x88, s6;
	s7 =	simm.s32 @p2 $0x1082  }
0x22: {  	[simem:s7], [sflag:s8] =	dma.local @!p0 [hbm:s6], $0xF7A  }
0x23: {  	s9 =	sor.u32 $0xD0000000, s2;
	s6 =	simm.s32 $0x108;
	_ =	swait.ge @!p0 [sflag:s8], $0x0  }
0x24: {  	s3 =	sadd.s32 $0x88, s3;
	s6 =	simm.s32 @!p1 $0x1082;
	[sflag:s4] =	ssyncset.s32 $0xFFFFF086  }
0x25: {  	[simem:s6], [sflag:s4] =	dma.local [hbm:s3], $0xF7A  }
0x26: {  	[smem:$0x3F9B] =	sst s1;
	(tag) =	ssettag s2;
	_ =	strace s9  }
0x27: {  	s1 =	sld [smem:$0x3FAB]  }
0x28: {  	s2 =	sld [smem:$0x3FAC]  }
0x29: {  	s4 =	sld [smem:$0x3FAE]  }
0x2a: {  	p0 =	seq.s32 s5, $0x0;
	s5 =	sld [smem:$0x3FAF]  }
0x2b: {  	s6 =	sld [smem:$0x3FB0]  }
0x2c: {  	s7 =	sld [smem:$0x3FB1]  }
0x2d: {  	s3 =	simm.s32 $0x108;
	s8 =	sld [smem:$0x3FB2]  }
0x2e: {  	s3 =	simm.s32 @!p0 $0x1082;
	s9 =	sld [smem:$0x3FB3]  }
0x2f: {  	lr =	sadd.s32 s0, s3;
	s0 =	sld [smem:$0x3FAA]  }
0x30: {  	s3 =	sld [smem:$0x3FAD]  }
0x31: {  	[smem:$0x3FB6] =	sst s10  }
0x32: {  	s10 =	sld [smem:$0x3FB4];
	_ =	sdelay $0x3  }
0x33: {  	p0 =	seq.s32 s10, $0x1;
	s10 =	sld [smem:$0x3FB6];
	_ =	sdelay $0x3  }
0x34: {  	[smem:$0x3FB6] =	sst s10  }
0x35: {  	s10 =	sld [smem:$0x3FB5];
	_ =	sdelay $0x3  }
0x36: {  	p1 =	seq.s32 s10, $0x1;
	s10 =	sld [smem:$0x3FB6];
	_ =	sdelay $0x3  }
0x37: {  	[smem:$0x3FB6] =	sst s10  }
0x38: {  	s10 =	sld [smem:$0x3FB7]  }
0x39: {  	_ = 	snop;
	(pc) =	sbr.ind lr, $3  }
0x3a: {  	_ = 	snop  }
0x3b: {  	_ = 	snop  }
0x3c: {  	p2 =	seq.s32 s10, $0x1;
	s10 =	sld [smem:$0x3FB6]  }
0x3d: {  	_ =	shalt  }
0x3e: {  	_ =	shalt  }
0x3f: {  	_ =	shalt  }
0x40: {  	_ =	shalt  }
0x41: {  	_ =	shalt  }
0x42: {  	_ =	shalt  }
0x43: {  	_ =	shalt  }
0x44: {  	_ =	shalt  }
0x45: {  	_ =	shalt  }
0x46: {  	_ =	shalt  }
0x47: {  	_ =	shalt  }
0x48: {  	_ =	shalt  }
0x49: {  	_ =	shalt  }
0x4a: {  	_ =	shalt  }
0x4b: {  	_ =	shalt  }
0x4c: {  	_ =	shalt  }
0x4d: {  	_ =	shalt  }
0x4e: {  	_ =	shalt  }
0x4f: {  	_ =	shalt  }
0x50: {  	_ =	shalt  }
0x51: {  	_ =	shalt  }
0x52: {  	_ =	shalt  }
0x53: {  	_ =	shalt  }
0x54: {  	_ =	shalt  }
0x55: {  	_ =	shalt  }
0x56: {  	_ =	shalt  }
0x57: {  	_ =	shalt  }
0x58: {  	_ =	shalt  }
0x59: {  	_ =	shalt  }
0x5a: {  	_ =	shalt  }
0x5b: {  	_ =	shalt  }
0x5c: {  	_ =	shalt  }
0x5d: {  	_ =	shalt  }
0x5e: {  	_ =	shalt  }
0x5f: {  	_ =	shalt  }
0x60: {  	_ =	shalt  }
0x61: {  	_ =	shalt  }
0x62: {  	_ =	shalt  }
0x63: {  	_ =	shalt  }
0x64: {  	_ =	shalt  }
0x65: {  	_ =	shalt  }
0x66: {  	_ =	shalt  }
0x67: {  	_ =	shalt  }
0x68: {  	_ =	shalt  }
0x69: {  	_ =	shalt  }
0x6a: {  	_ =	shalt  }
0x6b: {  	_ =	shalt  }
0x6c: {  	_ =	shalt  }
0x6d: {  	_ =	shalt  }
0x6e: {  	_ =	shalt  }
0x6f: {  	_ =	shalt  }
0x70: {  	_ =	shalt  }
0x71: {  	_ =	shalt  }
0x72: {  	_ =	shalt  }
0x73: {  	_ =	shalt  }
0x74: {  	_ =	shalt  }
0x75: {  	_ =	shalt  }
0x76: {  	_ =	shalt  }
0x77: {  	_ =	shalt  }
0x78: {  	_ =	shalt  }
0x79: {  	_ =	shalt  }
0x7a: {  	_ =	shalt  }
0x7b: {  	_ =	shalt  }
0x7c: {  	_ =	shalt  }
0x7d: {  	_ =	shalt  }
0x7e: {  	_ =	shalt  }
0x7f: {  	_ =	shalt  }
0x80: {  	_ =	shalt  }
0x81: {  	_ =	shalt  }
0x82: {  	_ =	shalt  }
0x83: {  	_ =	shalt  }
0x84: {  	_ =	shalt  }
0x85: {  	_ =	shalt  }
0x86: {  	_ =	shalt  }
0x87: {  	_ =	shalt  }
.Lfunc_end0:
.L_simem_size_0:
called_computation.1_lowered:
.L_overlay_start_0:
0x88: {  	s2 =	sld [smem:$0x3FD9]  }
0x89: {  	s3 =	sld [smem:$0x3FFE];
	_ =	sdelay $0x1  }
0x8a: {  	s1 =	srdreg.scid  }
0x8b: {  	s0 =	sand.u32 $0x1, s1  }
0x8c: {  	s16 =	sshll.u32 s0, $0xA;
	s2 =	sadd.s32 s3, s2  }
0x8d: {  	s2 =	sadd.s32 s2, s16  }
0x8e: {  	[smem:$0x3FC2] =	sst s2  }
0x8f: {  	_ = 	snop  }
0x90: {  	(tm) =	ssettm $0x1  }
0x91: {  	s17 =	sld [smem:$0x3FFB];
	_ =	sdelay $0x3  }
0x92: {  	_ =	strace s17  }
0x93: {  	s2 =	sld [smem:$0x3FFC];
	_ =	sdelay $0x3  }
0x94: {  	_ =	strace s2  }
0x95: {  	s2 =	sld [smem:$0x3FFD];
	_ =	sdelay $0x3  }
0x96: {  	_ =	strace s2  }
0x97: {  	_ =	strace $0x8FFFFFFF  }
0x98: {  	s18 =	sld [smem:$0x3FDB];
	_ =	sdelay $0x1  }
0x99: {  	s19 =	simm.s32 $_scs_section_size  }
0x9a: {  	s4 =	simm.s32 $_size__tile_overlayer_lowered;
	s5 =	simm.s32 $_tile_overlayer_lowered  }
0x9b: {  	s22 =	simm.s32 $0x1BFF;
	s21 =	sshll.u32 s5, $0x1;
	s2 =	sadd.s32 s19, s18  }
0x9c: {  	s6 =	simm.s32 $0x0;
	s20 =	sshll.u32 s4, $0x1;
	s4 =	sadd.s32 s21, s2  }
0x9d: {  	[timem:s6], [sflag:s22] =	dma.local [hbm:s4], s20  }
0x9e: {  	_ =	swait.ge [sflag:s22], s20  }
0x9f: {  	s3 =	ssub.s32 $0x0, s20;
	[sflag:s22] =	ssyncset.done $0x0  }
0xa0: {  	[sflag:s22] =	ssyncadd.s32 s3;
	_ =	sdelay $0x1  }
0xa1: {  	s23 =	simm.s32 $0x1B8B  }
0xa2: {  	_ =	swait.ge [sflag:s23], $0x1  }
0xa3: {  	[sflag:s23] =	ssyncset.done $0x0  }
0xa4: {  	s25 =	simm.s32 $0x1B8E;
	s24 =	sld [smem:$0x3FFE];
	[sflag:s23] =	ssyncadd.s32 $0xFFFFFFFF  }
0xa5: {  	s26 =	simm.s32 $execute0_lowered;
	[smem:$0x3FD2] =	sst s25  }
0xa6: {  	s4 =	sshll.u32 s26, $0x1;
	_ =	strace $0x80000049;
	[dreg:$0x1] =	wrdreg $0xFFFFFFFF  }
0xa7: {  	s28 =	simm.s32 $_size_execute0_lowered;
	s2 =	sadd.s32 s2, s4;
	[dreg:$0x0] =	wrdreg $0x0  }
0xa8: {  	s4 =	sshll.u32 s28, $0x1;
	[dreg:$0x2] =	wrdreg s2  }
0xa9: {  	[dreg:$0x3] =	wrdreg s4  }
0xaa: {  	[dreg:$0x4] =	wrdreg $0xC0  }
0xab: {  	_ =	task [dreg:s6], $0x5FFFF  }
0xac: {  	[dreg:$0x1] =	wrdreg $0xFFFFFFFF  }
0xad: {  	[dreg:$0x0] =	wrdreg $0x60  }
0xae: {  	[dreg:$0x2] =	wrdreg s24  }
0xaf: {  	[dreg:$0x3] =	wrdreg $0xA8000  }
0xb0: {  	[dreg:$0x4] =	wrdreg $0x9  }
0xb1: {  	_ =	task.clear_ibuf [dreg:s6], $0x5FFFF;
	_ =	strace $0x90000049  }
0xb2: {  	s29 =	simm.s32 $0x9;
	_ =	strace $0x8000004B  }
0xb3: {  	_ =	swait.ge [sflag:s29], $0x1  }
0xb4: {  	[sflag:s29] =	ssyncadd.s32 $0xFFFFFFFF  }
0xb5: {  	_ =	strace $0x9000004B  }
0xb6: {  	_ =	sfence  }
0xb7: {  	s30 =	sld [smem:$0x0];
	_ =	sdelay $0x2  }
0xb8: {  	s31 =	sshll.u32 s1, $0xD;
	s1 =	sshrl.u32 s1, $0x2  }
0xb9: {  	s3 =	sand.u32 $0x4000, s31;
	s1 =	sadd.s32 s1, s30  }
0xba: {  	s0 =	sor.u32 s3, s0;
	s1 =	sshll.u32 s1, $0x11  }
0xbb: {  	s0 =	sor.u32 s1, s0  }
0xbc: {  	s0 =	sadd.s32 $0x8F2B, s0  }
0xbd: {  	[sflag:s0] =	ssyncadd.remote.s32 $0x1  }
0xbe: {  	_ =	sfence.sel $0xFFFF  }
0xbf: {  	[dreg:$0x0] =	wrdreg $0xFFFFFFFF;
	(pc) =	sbr.abs _section_cstart, $3  }
0xc0: {  	[dreg:$0x1] =	wrdreg $0xFFFFFFFF  }
0xc1: {  	_ =	task.clear_ibuf [dreg:s6], $0x2FFFF;
	_ =	strace $0x9FFFFFFF  }
0xc2: {  	(tm) =	ssettm $0x7FFFFFFF  }
0xc3: {  	_ =	shalt  }
tec
execute0_lowered:
.L_overlay_start_1:
0x0: {  	(tag) =	ssettag $0x1  }
0x1: {  	s8 =	rddreg [dreg:$0x0]  }
0x2: {  	s1 =	rddreg [dreg:$0x1]  }
0x3: {  	s2 =	srdreg.scid;
	s28 =	simm.s32 $0x0;
	s0 =	stileid.u32  }
0x4: {  	s16 =	simm.s32 $0x2800;
	s17 =	simm.s32 $0x3;
	s18 =	simm.s32 $0x1400  }
0x5: {  	s19 =	simm.s32 $0x80;
	s20 =	simm.s32 $0x6800;
	s21 =	simm.s32 $0x1  }
0x6: {  	s22 =	simm.s32 $0x2;
	s23 =	simm.s32 $0x1380;
	s24 =	simm.s32 $0x2700  }
0x7: {  	s25 =	simm.s32 $0x2780;
	s26 =	simm.s32 $0x0;
	s10 =	smul.u32 $0x2800, s0  }
0x8: {  	s7 =	sand.u32 $0x1, s2;
	[smem:$0x7FF] =	sst s28;
	s4 =	smul.u32 $0xA0, s0  }
0x9: {  	s5 =	sadd.s32 $0x20800, s8;
	s6 =	sadd.s32 $0xC800, s8;
	s12 =	smul.u32 $0x50000, s0  }
0xa: {  	s9 =	smul.u32 $0x28000, s7;
	_ =	strace $0x8000004A;
	s29 =	ssub.s32 $0x2, s7  }
0xb: {  	s11 =	smul.u32 $0xA00, s7;
	s7 =	sadd.s32 $0x2800, s8;
	s30 =	sshrl.u32 s29, $0x1  }
0xc: {  	s31 =	sshrl.u32 s12, $0x2;
	s9 =	sadd.s32 s10, s9;
	s14 =	ssub.s32 s29, s30  }
0xd: {  	s13 =	sadd.s32 s9, s8;
	s8 =	sadd.s32 s4, s11;
	s9 =	sadd.s32 s31, s1  }
0xe: {  	s11 =	smax.u32 s14, $0x1;
	s10 =	sadd.s32 $0x6EA00, s13;
	s12 =	sadd.s32 $0x4000, s9  }
0xf: {  	v0 =	vimm.f32 $0.0e+00;
	s13 =	sadd.s32 $0x8000, s9;
	s14 =	sadd.s32 $0xC000, s9;
	s15 =	sadd.s32 $0x10000, s9  }
.LBB2_1:
0x10: {  	s0 =	simm.s32 $0x0  }
0x11: {  	s28 =	sand.u32 $0xFE00, s0  }
0x12: {  	s29 =	sand.u32 $0x70, s0;
	s30 =	sshrl.u32 s28, $0x2  }
0x13: {  	s28 =	simm.s32 $0x40;
	s30 =	sor.u32 s29, s30;
	s29 =	simm.s32 $0x0  }
.LBB2_2:
0x14: {  	p0 =	sne.s32 s28, $0xFFC0  }
0x15: {  	[tilespmem:s30+$0x2800] =	vst v0;
	s29 =	sadd.s32 $0x10, s29;
	s30 =	smov.u32 s28;
	s28 =	sadd.s32 $0x40, s28  }
.Ltmp0:
0x16: {  	(pc) =	sbr.rel @p0 .LBB2_2-.Ltmp0, $4  }
0x17: {  	_ = 	snop  }
0x18: {  	s30 =	sand.u32 $0xFE00, s30  }
0x19: {  	s31 =	sand.u32 $0x70, s29;
	s30 =	sshrl.u32 s30, $0x2  }
0x1a: {  	s30 =	sor.u32 s31, s30  }
0x1b: {  	[tilespmem:s30+$0x2800] =	vst v0  }
0x1c: {  	[spmem:s9] =	stream.linear.scatter [tilespmem:s16], [sflag:$0x3], $0x4000, $0x38;
	[tilespmem:$0x1E800] =	vst v63  }
0x1d: {  	_ =	swait.ge [sflag:s17], $0x4000  }
0x1e: {  	[sflag:s17] =	ssyncset.done $0x0  }
0x1f: {  	[sflag:s17] =	ssyncadd.s32 $0xFFFFC000  }
0x20: {  	[spmem:s12] =	stream.linear.scatter [tilespmem:s16], [sflag:$0x3], $0x4000, $0x38;
	[tilespmem:$0x1E800] =	vst v63  }
0x21: {  	_ =	swait.ge [sflag:s17], $0x4000  }
0x22: {  	[sflag:s17] =	ssyncset.done $0x0  }
0x23: {  	[sflag:s17] =	ssyncadd.s32 $0xFFFFC000  }
0x24: {  	[spmem:s13] =	stream.linear.scatter [tilespmem:s16], [sflag:$0x3], $0x4000, $0x38;
	[tilespmem:$0x1E800] =	vst v63  }
0x25: {  	_ =	swait.ge [sflag:s17], $0x4000  }
0x26: {  	[sflag:s17] =	ssyncset.done $0x0  }
0x27: {  	[sflag:s17] =	ssyncadd.s32 $0xFFFFC000  }
0x28: {  	[spmem:s14] =	stream.linear.scatter [tilespmem:s16], [sflag:$0x3], $0x4000, $0x38;
	[tilespmem:$0x1E800] =	vst v63  }
0x29: {  	_ =	swait.ge [sflag:s17], $0x4000  }
0x2a: {  	[sflag:s17] =	ssyncset.done $0x0  }
0x2b: {  	[sflag:s17] =	ssyncadd.s32 $0xFFFFC000  }
0x2c: {  	[spmem:s15] =	stream.linear.scatter [tilespmem:s16], [sflag:$0x3], $0x4000, $0x38;
	[tilespmem:$0x1E800] =	vst v63  }
0x2d: {  	_ =	swait.ge [sflag:s17], $0x4000  }
0x2e: {  	[sflag:s17] =	ssyncset.done $0x0  }
0x2f: {  	[sflag:s17] =	ssyncadd.s32 $0xFFFFC000  }
0x30: {  	s28 =	simm.s32 $0x0;
	s29 =	simm.s32 $0x0;
	[bflag:$0x0] =	sbarrier.arrive $0xFFFF  }
.LBB2_4:
0x31: {  	s30 =	smul.u32 $0x28, s29;
	_ =	sdelay $0x1  }
0x32: {  	s31 =	sadd.s32 s30, s8  }
0x33: {  	s31 =	sshll.u32 s31, $0x4  }
0x34: {  	s31 =	sadd.s32 s6, s31  }
0x35: {  	[tilespmem:s28], [sflag:$0x3] =	stream.linear.gather [hbm4b:s31+s28], $0x1400, $0x38;
	[tilespmem:$0x1E800] =	vst v63  }
0x36: {  	s30 =	sadd.s32 s4, s30;
	_ =	swait.ge [sflag:s17], $0x1400  }
0x37: {  	s30 =	sshll.u32 s30, $0x4;
	[sflag:s17] =	ssyncset.done $0x0  }
0x38: {  	s30 =	sadd.s32 s7, s30;
	[sflag:s17] =	ssyncadd.s32 $0xFFFFEC00  }
0x39: {  	[tilespmem:s18], [sflag:$0x3] =	stream.linear.gather [hbm4b:s30+s28], $0x1400, $0x38;
	[tilespmem:$0x1E800] =	vst v63  }
0x3a: {  	_ =	swait.ge [sflag:s17], $0x1400  }
0x3b: {  	[sflag:s17] =	ssyncset.done $0x0  }
0x3c: {  	[sflag:s17] =	ssyncadd.s32 $0xFFFFEC00  }
0x3d: {  	[tilespmem:s16], [sflag:$0x1] =	stream.indirect.gather [hbm4b:s5+s19], $0x80, s28, s19, $0xb8;
	[tilespmem:$0x1E800] =	vst v63  }
0x3e: {  	s30 =	simm.s32 $0x80  }
0x3f: {  	[tilespmem:s20], [sflag:$0x2] =	stream.indirect.gather [hbm4b:s5+s19], $0x80, s30, s19, $0xb8;
	[tilespmem:$0x1E800] =	vst v63  }
0x40: {  	_ =	swait.ge [sflag:s21], $0x4000  }
0x41: {  	[sflag:s21] =	ssyncset.done $0x0  }
0x42: {  	s30 =	simm.s32 $0x1400;
	[sflag:s21] =	ssyncadd.s32 $0xFFFFC000  }
0x43: {  	[spmem:s1] =	stream.indirect.scatter.add.f32 [tilespmem:s16], [sflag:$0x3], $0x80, s30, s19, $0xb8;
	[tilespmem:$0x1E800] =	vst v63  }
0x44: {  	_ =	swait.ge [sflag:s17], $0x4000  }
0x45: {  	[sflag:s17] =	ssyncset.done $0x0  }
0x46: {  	s30 =	simm.s32 $0x100;
	[sflag:s17] =	ssyncadd.s32 $0xFFFFC000  }
0x47: {  	[tilespmem:s16], [sflag:$0x1] =	stream.indirect.gather [hbm4b:s5+s19], $0x80, s30, s19, $0xb8;
	[tilespmem:$0x1E800] =	vst v63  }
0x48: {  	_ =	swait.ge [sflag:s22], $0x4000  }
0x49: {  	[sflag:s22] =	ssyncset.done $0x0  }
0x4a: {  	s30 =	simm.s32 $0x1480;
	[sflag:s22] =	ssyncadd.s32 $0xFFFFC000  }
0x4b: {  	[spmem:s1] =	stream.indirect.scatter.add.f32 [tilespmem:s20], [sflag:$0x3], $0x80, s30, s19, $0xb8;
	[tilespmem:$0x1E800] =	vst v63  }
0x4c: {  	_ =	swait.ge [sflag:s17], $0x4000  }
0x4d: {  	s31 =	simm.s32 $0x800;
	s30 =	simm.s32 $0x100;
	[sflag:s17] =	ssyncset.done $0x0  }
.LBB2_5:
0x4e: {  	s0 =	sadd.s32 $0x80, s30  }
0x4f: {  	[sflag:s17] =	ssyncadd.s32 $0xFFFFC000;
	s2 =	smov.u32 s31;
	s3 =	sadd.s32 $0x400, s31  }
0x50: {  	[tilespmem:s20], [sflag:$0x2] =	stream.indirect.gather [hbm4b:s5+s19], $0x80, s0, s19, $0xb8;
	[tilespmem:$0x1E800] =	vst v63  }
0x51: {  	p0 =	sne.s32 s31, $0x4800;
	_ =	swait.ge [sflag:s21], $0x4000  }
0x52: {  	[sflag:s21] =	ssyncset.done $0x0  }
0x53: {  	s0 =	sadd.s32 $0x1400, s30;
	[sflag:s21] =	ssyncadd.s32 $0xFFFFC000  }
0x54: {  	[spmem:s1] =	stream.indirect.scatter.add.f32 [tilespmem:s16], [sflag:$0x3], $0x80, s0, s19, $0xb8;
	[tilespmem:$0x1E800] =	vst v63  }
0x55: {  	_ =	swait.ge [sflag:s17], $0x4000  }
0x56: {  	[sflag:s17] =	ssyncset.done $0x0  }
0x57: {  	s0 =	sadd.s32 $0x100, s30;
	[sflag:s17] =	ssyncadd.s32 $0xFFFFC000  }
0x58: {  	[tilespmem:s16], [sflag:$0x1] =	stream.indirect.gather [hbm4b:s5+s19], $0x80, s0, s19, $0xb8;
	[tilespmem:$0x1E800] =	vst v63  }
0x59: {  	_ =	swait.ge [sflag:s22], $0x4000  }
.Ltmp1:
0x5a: {  	[sflag:s22] =	ssyncset.done $0x0;
	(pc) =	sbr.rel @p0 .LBB2_5-.Ltmp1, $4  }
0x5b: {  	s0 =	sadd.s32 $0x1480, s30;
	[sflag:s22] =	ssyncadd.s32 $0xFFFFC000  }
0x5c: {  	[spmem:s1] =	stream.indirect.scatter.add.f32 [tilespmem:s20], [sflag:$0x3], $0x80, s0, s19, $0xb8;
	[tilespmem:$0x1E800] =	vst v63  }
0x5d: {  	_ =	swait.ge [sflag:s17], $0x4000  }
0x5e: {  	s31 =	smov.u32 s3;
	s30 =	sshra.s32 s2, $0x2;
	[sflag:s17] =	ssyncset.done $0x0  }
0x5f: {  	s0 =	sadd.s32 $0x80, s30;
	[sflag:s17] =	ssyncadd.s32 $0xFFFFC000  }
0x60: {  	[tilespmem:s20], [sflag:$0x2] =	stream.indirect.gather [hbm4b:s5+s19], $0x80, s0, s19, $0xb8;
	[tilespmem:$0x1E800] =	vst v63  }
0x61: {  	_ =	swait.ge [sflag:s21], $0x4000  }
0x62: {  	[sflag:s21] =	ssyncset.done $0x0  }
0x63: {  	s2 =	sadd.s32 $0x1400, s30;
	[sflag:s21] =	ssyncadd.s32 $0xFFFFC000  }
0x64: {  	[spmem:s1] =	stream.indirect.scatter.add.f32 [tilespmem:s16], [sflag:$0x3], $0x80, s2, s19, $0xb8;
	[tilespmem:$0x1E800] =	vst v63  }
0x65: {  	_ =	swait.ge [sflag:s17], $0x4000  }
0x66: {  	[sflag:s17] =	ssyncset.done $0x0  }
0x67: {  	s3 =	sadd.s32 $0x100, s30;
	[sflag:s17] =	ssyncadd.s32 $0xFFFFC000  }
0x68: {  	[tilespmem:s16], [sflag:$0x1] =	stream.indirect.gather [hbm4b:s5+s19], $0x80, s3, s19, $0xb8;
	[tilespmem:$0x1E800] =	vst v63  }
0x69: {  	_ =	swait.ge [sflag:s22], $0x4000  }
0x6a: {  	[sflag:s22] =	ssyncset.done $0x0  }
0x6b: {  	s31 =	sadd.s32 $0x1480, s30;
	[sflag:s22] =	ssyncadd.s32 $0xFFFFC000  }
0x6c: {  	[spmem:s1] =	stream.indirect.scatter.add.f32 [tilespmem:s20], [sflag:$0x3], $0x80, s31, s19, $0xb8;
	[tilespmem:$0x1E800] =	vst v63  }
0x6d: {  	_ =	swait.ge [sflag:s17], $0x4000  }
0x6e: {  	[sflag:s17] =	ssyncset.done $0x0  }
0x6f: {  	[sflag:s17] =	ssyncadd.s32 $0xFFFFC000  }
0x70: {  	[tilespmem:s20], [sflag:$0x2] =	stream.indirect.gather [hbm4b:s5+s19], $0x80, s23, s19, $0xb8;
	[tilespmem:$0x1E800] =	vst v63  }
0x71: {  	_ =	swait.ge [sflag:s21], $0x4000  }
0x72: {  	[sflag:s21] =	ssyncset.done $0x0  }
0x73: {  	[sflag:s21] =	ssyncadd.s32 $0xFFFFC000  }
0x74: {  	[spmem:s1] =	stream.indirect.scatter.add.f32 [tilespmem:s16], [sflag:$0x3], $0x80, s24, s19, $0xb8;
	[tilespmem:$0x1E800] =	vst v63  }
0x75: {  	_ =	swait.ge [sflag:s17], $0x4000  }
0x76: {  	[sflag:s17] =	ssyncset.done $0x0  }
0x77: {  	[sflag:s17] =	ssyncadd.s32 $0xFFFFC000  }
0x78: {  	s29 =	sadd.s32 $0x1, s29;
	_ =	swait.ge [sflag:s22], $0x4000  }
0x79: {  	p0 =	sne.s32 s29, $0x4;
	[sflag:s22] =	ssyncset.done $0x0  }
.Ltmp2:
0x7a: {  	[sflag:s22] =	ssyncadd.s32 $0xFFFFC000;
	(pc) =	sbr.rel @p0 .LBB2_4-.Ltmp2, $4  }
0x7b: {  	[spmem:s1] =	stream.indirect.scatter.add.f32 [tilespmem:s20], [sflag:$0x3], $0x80, s25, s19, $0xb8;
	[tilespmem:$0x1E800] =	vst v63  }
0x7c: {  	_ =	swait.ge [sflag:s17], $0x4000  }
0x7d: {  	[sflag:s17] =	ssyncset.done $0x0  }
0x7e: {  	[sflag:s17] =	ssyncadd.s32 $0xFFFFC000  }
0x7f: {  	s0 =	stileid.u32;
	s26 =	sadd.s32 $0x1, s26  }
0x80: {  	[bflag:$0x0] =	sbarrier.arrive $0xFFFF;
	s0 =	sshll.u32 s0, $0x6;
	p0 =	sne.s32 s26, s11  }
.Ltmp3:
0x81: {  	s2 =	sshrl.u32 s9, $0x3;
	s0 =	sor.u32 $0x1C03, s0;
	(pc) =	sbr.rel @p0 .LBB2_1-.Ltmp3, $4  }
0x82: {  	[hbm:s10], [sflag:s0] =	dma.local [spmem:s2], $0x2800  }
0x83: {  	_ =	swait.ge [sflag:s17], $0x2800  }
0x84: {  	[sflag:s17] =	ssyncset.done $0x0  }
0x85: {  	[sflag:s17] =	ssyncadd.s32 $0xFFFFD800  }
0x86: {  	_ =	sfence.sel $0x180000  }
0x87: {  	[bflag:$0x0] =	sbarrier.arrive $0xFFFF  }
0x88: {  	_ =	strace $0x9000004A  }
0x89: {  	s0 =	stileid.u32;
	[bflag:$0x2] =	sbarrier.arrive $0xFFFF  }
0x8a: {  	p0 =	sne.s32 s0, $0x0;
	s0 =	rddreg [dreg:$0x2]  }
0x8b: {  	s0 =	sadd.s32 @!p0 $0x100000, s0  }
0x8c: {  	[sflag:s0] =	ssyncadd.tile.s32 @!p0 $0x1;
	_ =	shalt  }
.Lfunc_end2:
_tile_overlayer_lowered:
.L_overlay_start_2:
0x8d: {  	(tag) =	ssettag $0x2  }
0x8e: {  	s0 =	rddreg [dreg:$0x0];
	s2 =	stileid.u32  }
0x8f: {  	s1 =	rddreg [dreg:$0x1];
	p0 =	sne.s32 s2, $0x0  }
0x90: {  	s3 =	rddreg [dreg:$0x2];
	[bflag:$0x3] =	sbarrier.arrive $0xFFFF;
	s2 =	simm.s32 @!p0 $0x1C03  }
0x91: {  	[timem:s3], [sflag:s2] =	dma.local @!p0 [hbm:s0], s1  }
0x92: {  	s0 =	simm.s32 @!p0 $0x3  }
0x93: {  	_ =	swait.ge @!p0 [sflag:s0], s1  }
0x94: {  	s1 =	ssub.s32 @!p0 $0x0, s1;
	[sflag:s0] =	ssyncset.done @!p0 $0x0  }
0x95: {  	[sflag:s0] =	ssyncadd.s32 @!p0 s1  }
0x96: {  	[bflag:$0x3] =	sbarrier.arrive $0xFFFF  }
0x97: {  	_ =	shalt  }

// kernel: kernel.14.cloned.1.call-start
scs
__scs_entry_jumppad:
0x0: {  	(pc) =	sbr.rel $0x88, $3  }
0x1: {  	(tag) =	ssettag $0x0;
	lr =	simm.s32 $0x1  }
0x2: {  	[smem:$0x3F9B] =	sst lr;
	_ =	strace $0xD0000000  }
0x3: {  	_ = 	snop  }
0x4: {  	_ = 	snop  }
0x5: {  	_ = 	snop  }
0x6: {  	_ = 	snop  }
0x7: {  	_ = 	snop  }
__scs_overlays_trampoline_lowered:
0x8: {  	[smem:$0x3FAA] =	sst s0  }
0x9: {  	[smem:$0x3FAB] =	sst s1  }
0xa: {  	[smem:$0x3FAC] =	sst s2  }
0xb: {  	[smem:$0x3FAD] =	sst s3  }
0xc: {  	[smem:$0x3FAE] =	sst s4  }
0xd: {  	[smem:$0x3FAF] =	sst s5  }
0xe: {  	[smem:$0x3FB0] =	sst s6  }
0xf: {  	[smem:$0x3FB1] =	sst s7  }
0x10: {  	[smem:$0x3FB2] =	sst s8  }
0x11: {  	[smem:$0x3FB3] =	sst s9;
	s0 =	simm.s32 @!p0 $0x0  }
0x12: {  	s1 =	sld [smem:$0x3F99];
	s0 =	simm.s32 @p0 $0x1  }
0x13: {  	[smem:$0x3FB4] =	sst s0;
	s0 =	simm.s32 @!p1 $0x0  }
0x14: {  	s2 =	sld [smem:$0x3F98];
	s0 =	simm.s32 @p1 $0x1  }
0x15: {  	[smem:$0x3FB5] =	sst s0;
	s0 =	simm.s32 @!p2 $0x0  }
0x16: {  	s3 =	sld [smem:$0x3FDB];
	s0 =	simm.s32 @p2 $0x1  }
0x17: {  	s4 =	simm.s32 $0x1BF5;
	[smem:$0x3FB7] =	sst s0  }
0x18: {  	s0 =	sld [smem:$0x3F9A];
	_ =	swait.ge [sflag:s4], $0x0  }
0x19: {  	s7 =	sld [smem:$0x3F9B]  }
0x1a: {  	s8 =	sadd.s32 $0xFFFFE003, lr  }
0x1b: {  	s9 =	sadd.s32 $0xFFFFFEF7, lr;
	s5 =	simm.s32 $0xFFFFFFFF;
	p2 =	slt.u32 s8, $0xFFFFF086  }
0x1c: {  	p1 =	slt.u32 s9, $0xF7A;
	s5 =	simm.s32 @!p2 $0x0  }
0x1d: {  	s5 =	simm.s32 @p1 $0x1;
	p0 =	seq.s32 s7, s2  }
0x1e: {  	s7 =	smul.u32 @!p0 $0xF7A, s2;
	p2 =	seq.s32 @!p0 s5, $0x0  }
0x1f: {  	s9 =	smul.u32 $0xF7A, s1;
	s8 =	simm.s32 @!p0 $0x1BF5;
	p2 =	por !p2, p0  }
0x20: {  	[sflag:s8] =	ssyncset.s32 @!p0 $0xFFFFF086;
	s6 =	sadd.s32 @!p0 s3, s7;
	s7 =	simm.s32 @!p0 $0x108  }
0x21: {  	s3 =	sadd.s32 s3, s9;
	s6 =	sadd.s32 @!p0 $0x88, s6;
	s7 =	simm.s32 @p2 $0x1082  }
0x22: {  	[simem:s7], [sflag:s8] =	dma.local @!p0 [hbm:s6], $0xF7A  }
0x23: {  	s9 =	sor.u32 $0xD0000000, s2;
	s6 =	simm.s32 $0x108;
	_ =	swait.ge @!p0 [sflag:s8], $0x0  }
0x24: {  	s3 =	sadd.s32 $0x88, s3;
	s6 =	simm.s32 @!p1 $0x1082;
	[sflag:s4] =	ssyncset.s32 $0xFFFFF086  }
0x25: {  	[simem:s6], [sflag:s4] =	dma.local [hbm:s3], $0xF7A  }
0x26: {  	[smem:$0x3F9B] =	sst s1;
	(tag) =	ssettag s2;
	_ =	strace s9  }
0x27: {  	s1 =	sld [smem:$0x3FAB]  }
0x28: {  	s2 =	sld [smem:$0x3FAC]  }
0x29: {  	s4 =	sld [smem:$0x3FAE]  }
0x2a: {  	p0 =	seq.s32 s5, $0x0;
	s5 =	sld [smem:$0x3FAF]  }
0x2b: {  	s6 =	sld [smem:$0x3FB0]  }
0x2c: {  	s7 =	sld [smem:$0x3FB1]  }
0x2d: {  	s3 =	simm.s32 $0x108;
	s8 =	sld [smem:$0x3FB2]  }
0x2e: {  	s3 =	simm.s32 @!p0 $0x1082;
	s9 =	sld [smem:$0x3FB3]  }
0x2f: {  	lr =	sadd.s32 s0, s3;
	s0 =	sld [smem:$0x3FAA]  }
0x30: {  	s3 =	sld [smem:$0x3FAD]  }
0x31: {  	[smem:$0x3FB6] =	sst s10  }
0x32: {  	s10 =	sld [smem:$0x3FB4];
	_ =	sdelay $0x3  }
0x33: {  	p0 =	seq.s32 s10, $0x1;
	s10 =	sld [smem:$0x3FB6];
	_ =	sdelay $0x3  }
0x34: {  	[smem:$0x3FB6] =	sst s10  }
0x35: {  	s10 =	sld [smem:$0x3FB5];
	_ =	sdelay $0x3  }
0x36: {  	p1 =	seq.s32 s10, $0x1;
	s10 =	sld [smem:$0x3FB6];
	_ =	sdelay $0x3  }
0x37: {  	[smem:$0x3FB6] =	sst s10  }
0x38: {  	s10 =	sld [smem:$0x3FB7]  }
0x39: {  	_ = 	snop;
	(pc) =	sbr.ind lr, $3  }
0x3a: {  	_ = 	snop  }
0x3b: {  	_ = 	snop  }
0x3c: {  	p2 =	seq.s32 s10, $0x1;
	s10 =	sld [smem:$0x3FB6]  }
0x3d: {  	_ =	shalt  }
0x3e: {  	_ =	shalt  }
0x3f: {  	_ =	shalt  }
0x40: {  	_ =	shalt  }
0x41: {  	_ =	shalt  }
0x42: {  	_ =	shalt  }
0x43: {  	_ =	shalt  }
0x44: {  	_ =	shalt  }
0x45: {  	_ =	shalt  }
0x46: {  	_ =	shalt  }
0x47: {  	_ =	shalt  }
0x48: {  	_ =	shalt  }
0x49: {  	_ =	shalt  }
0x4a: {  	_ =	shalt  }
0x4b: {  	_ =	shalt  }
0x4c: {  	_ =	shalt  }
0x4d: {  	_ =	shalt  }
0x4e: {  	_ =	shalt  }
0x4f: {  	_ =	shalt  }
0x50: {  	_ =	shalt  }
0x51: {  	_ =	shalt  }
0x52: {  	_ =	shalt  }
0x53: {  	_ =	shalt  }
0x54: {  	_ =	shalt  }
0x55: {  	_ =	shalt  }
0x56: {  	_ =	shalt  }
0x57: {  	_ =	shalt  }
0x58: {  	_ =	shalt  }
0x59: {  	_ =	shalt  }
0x5a: {  	_ =	shalt  }
0x5b: {  	_ =	shalt  }
0x5c: {  	_ =	shalt  }
0x5d: {  	_ =	shalt  }
0x5e: {  	_ =	shalt  }
0x5f: {  	_ =	shalt  }
0x60: {  	_ =	shalt  }
0x61: {  	_ =	shalt  }
0x62: {  	_ =	shalt  }
0x63: {  	_ =	shalt  }
0x64: {  	_ =	shalt  }
0x65: {  	_ =	shalt  }
0x66: {  	_ =	shalt  }
0x67: {  	_ =	shalt  }
0x68: {  	_ =	shalt  }
0x69: {  	_ =	shalt  }
0x6a: {  	_ =	shalt  }
0x6b: {  	_ =	shalt  }
0x6c: {  	_ =	shalt  }
0x6d: {  	_ =	shalt  }
0x6e: {  	_ =	shalt  }
0x6f: {  	_ =	shalt  }
0x70: {  	_ =	shalt  }
0x71: {  	_ =	shalt  }
0x72: {  	_ =	shalt  }
0x73: {  	_ =	shalt  }
0x74: {  	_ =	shalt  }
0x75: {  	_ =	shalt  }
0x76: {  	_ =	shalt  }
0x77: {  	_ =	shalt  }
0x78: {  	_ =	shalt  }
0x79: {  	_ =	shalt  }
0x7a: {  	_ =	shalt  }
0x7b: {  	_ =	shalt  }
0x7c: {  	_ =	shalt  }
0x7d: {  	_ =	shalt  }
0x7e: {  	_ =	shalt  }
0x7f: {  	_ =	shalt  }
0x80: {  	_ =	shalt  }
0x81: {  	_ =	shalt  }
0x82: {  	_ =	shalt  }
0x83: {  	_ =	shalt  }
0x84: {  	_ =	shalt  }
0x85: {  	_ =	shalt  }
0x86: {  	_ =	shalt  }
0x87: {  	_ =	shalt  }
.Lfunc_end0:
.L_simem_size_0:
called_computation.2_lowered:
.L_overlay_start_0:
0x88: {  	s2 =	sld [smem:$0x3FD9]  }
0x89: {  	s3 =	sld [smem:$0x3FFE];
	_ =	sdelay $0x1  }
0x8a: {  	s1 =	srdreg.scid  }
0x8b: {  	s0 =	sand.u32 $0x1, s1  }
0x8c: {  	s17 =	sshll.u32 s0, $0xA;
	s2 =	sadd.s32 s3, s2  }
0x8d: {  	s2 =	sadd.s32 s2, s17  }
0x8e: {  	[smem:$0x3FC2] =	sst s2  }
0x8f: {  	_ = 	snop  }
0x90: {  	s2 =	sld [smem:$0x3FD0];
	(tm) =	ssettm $0x1  }
0x91: {  	s18 =	sld [smem:$0x3FFB];
	_ =	sdelay $0x3  }
0x92: {  	_ =	strace s18  }
0x93: {  	s3 =	sld [smem:$0x3FFC];
	_ =	sdelay $0x3  }
0x94: {  	_ =	strace s3  }
0x95: {  	s3 =	sld [smem:$0x3FFD];
	_ =	sdelay $0x3  }
0x96: {  	_ =	strace s3  }
0x97: {  	_ =	strace $0x8FFFFFFF  }
0x98: {  	s19 =	sld [smem:$0x3FDB];
	_ =	sdelay $0x1  }
0x99: {  	s4 =	simm.s32 $_scs_section_size  }
0x9a: {  	s5 =	simm.s32 $_size__tile_overlayer_lowered;
	s6 =	simm.s32 $_tile_overlayer_lowered  }
0x9b: {  	s22 =	simm.s32 $0x1BFF;
	s21 =	sshll.u32 s6, $0x1;
	s3 =	sadd.s32 s4, s19  }
0x9c: {  	s7 =	simm.s32 $0x0;
	s20 =	sshll.u32 s5, $0x1;
	s5 =	sadd.s32 s21, s3  }
0x9d: {  	[timem:s7], [sflag:s22] =	dma.local [hbm:s5], s20  }
0x9e: {  	_ =	swait.ge [sflag:s22], s20  }
0x9f: {  	s4 =	ssub.s32 $0x0, s20;
	[sflag:s22] =	ssyncset.done $0x0  }
0xa0: {  	[sflag:s22] =	ssyncadd.s32 s4;
	_ =	sdelay $0x1  }
0xa1: {  	s23 =	simm.s32 $0x1B8B  }
0xa2: {  	_ =	swait.ge [sflag:s23], $0x1  }
0xa3: {  	[sflag:s23] =	ssyncset.done $0x0  }
0xa4: {  	s25 =	simm.s32 $0x1B8E;
	s24 =	sld [smem:$0x3FFE];
	[sflag:s23] =	ssyncadd.s32 $0xFFFFFFFF  }
0xa5: {  	s26 =	simm.s32 $execute0_lowered;
	[smem:$0x3FD2] =	sst s25  }
0xa6: {  	s5 =	sshll.u32 s26, $0x1;
	_ =	strace $0x8000004C;
	[dreg:$0x1] =	wrdreg $0xFFFFFFFF  }
0xa7: {  	s28 =	simm.s32 $_size_execute0_lowered;
	s3 =	sadd.s32 s3, s5;
	[dreg:$0x0] =	wrdreg $0x0  }
0xa8: {  	s5 =	sshll.u32 s28, $0x1;
	[dreg:$0x2] =	wrdreg s3  }
0xa9: {  	[dreg:$0x3] =	wrdreg s5  }
0xaa: {  	[dreg:$0x4] =	wrdreg $0xC0  }
0xab: {  	_ =	task [dreg:s7], $0x5FFFF  }
0xac: {  	[dreg:$0x1] =	wrdreg $0xFFFFFFFF  }
0xad: {  	[dreg:$0x0] =	wrdreg $0x60  }
0xae: {  	[dreg:$0x2] =	wrdreg s2  }
0xaf: {  	[dreg:$0x3] =	wrdreg s24  }
0xb0: {  	[dreg:$0x4] =	wrdreg $0xA8000  }
0xb1: {  	[dreg:$0x5] =	wrdreg $0x9  }
0xb2: {  	_ =	task.clear_ibuf [dreg:s7], $0x6FFFF;
	_ =	strace $0x9000004C  }
0xb3: {  	s29 =	simm.s32 $0x9;
	_ =	strace $0x8000004E  }
0xb4: {  	_ =	swait.ge [sflag:s29], $0x1  }
0xb5: {  	[sflag:s29] =	ssyncadd.s32 $0xFFFFFFFF  }
0xb6: {  	_ =	strace $0x9000004E  }
0xb7: {  	_ =	sfence  }
0xb8: {  	s30 =	sld [smem:$0x0];
	_ =	sdelay $0x2  }
0xb9: {  	s31 =	sshll.u32 s1, $0xD;
	s1 =	sshrl.u32 s1, $0x2  }
0xba: {  	s3 =	sand.u32 $0x4000, s31;
	s1 =	sadd.s32 s1, s30  }
0xbb: {  	s0 =	sor.u32 s3, s0;
	s1 =	sshll.u32 s1, $0x11  }
0xbc: {  	s0 =	sor.u32 s1, s0  }
0xbd: {  	s0 =	sadd.s32 $0x8F2B, s0  }
0xbe: {  	[sflag:s0] =	ssyncadd.remote.s32 $0x1  }
0xbf: {  	_ =	sfence.sel $0xFFFF  }
0xc0: {  	[dreg:$0x0] =	wrdreg $0xFFFFFFFF;
	(pc) =	sbr.abs _section_cstart, $3  }
0xc1: {  	[dreg:$0x1] =	wrdreg $0xFFFFFFFF  }
0xc2: {  	_ =	task.clear_ibuf [dreg:s7], $0x2FFFF;
	_ =	strace $0x9FFFFFFF  }
0xc3: {  	(tm) =	ssettm $0x7FFFFFFF  }
tec
execute0_lowered:
.L_overlay_start_1:
0x0: {  	(tag) =	ssettag $0x1  }
0x1: {  	s1 =	rddreg [dreg:$0x0]  }
0x2: {  	s5 =	rddreg [dreg:$0x1]  }
0x3: {  	s2 =	rddreg [dreg:$0x2];
	s3 =	srdreg.scid  }
0x4: {  	s4 =	simm.s32 $0x0;
	s17 =	simm.s32 $0x3;
	s18 =	simm.s32 $0x1400  }
0x5: {  	s19 =	simm.s32 $0x80;
	s20 =	simm.s32 $0x6800;
	s21 =	simm.s32 $0x1  }
0x6: {  	s22 =	simm.s32 $0x2;
	s23 =	simm.s32 $0x1380;
	s24 =	simm.s32 $0x2700  }
0x7: {  	s25 =	simm.s32 $0x2780;
	s6 =	sand.u32 $0x1, s3;
	s3 =	stileid.u32  }
0x8: {  	s26 =	simm.s32 $0x0;
	[smem:$0x7FF] =	sst s4;
	s7 =	smul.u32 $0x28000, s6  }
0x9: {  	s14 =	sadd.s32 $0xC800, s5;
	s15 =	sadd.s32 $0x2800, s5;
	s8 =	smul.u32 $0x2800, s3  }
0xa: {  	s29 =	ssub.s32 $0x2, s6;
	s9 =	smul.u32 $0x50000, s3;
	s10 =	sshll.u32 s3, $0x1  }
0xb: {  	_ =	strace $0x8000004D;
	s30 =	sshrl.u32 s29, $0x1;
	s10 =	sor.u32 s6, s10  }
0xc: {  	s7 =	sadd.s32 s8, s7;
	s8 =	ssub.s32 s29, s30;
	s31 =	sshrl.u32 s9, $0x2  }
0xd: {  	s13 =	smul.u32 $0x500, s10;
	s7 =	sadd.s32 s7, s5;
	s5 =	sadd.s32 s31, s2  }
0xe: {  	s6 =	sadd.s32 $0x20800, s7;
	s7 =	smax.u32 s8, $0x1;
	s8 =	sadd.s32 $0x4000, s5  }
0xf: {  	s9 =	sadd.s32 $0x8000, s5;
	s10 =	sadd.s32 $0xC000, s5;
	s11 =	sadd.s32 $0x10000, s5  }
0x10: {  	s16 =	sadd.s32 $0x280, s13;
	s12 =	sadd.s32 s14, s13;
	s13 =	sadd.s32 s15, s13  }
0x11: {  	v0 =	vimm.f32 $0.0e+00;
	s14 =	sadd.s32 s14, s16;
	s15 =	sadd.s32 s15, s16;
	s16 =	simm.s32 $0x2800  }
.LBB2_1:
0x12: {  	s28 =	sand.u32 $0xFE00, s4  }
0x13: {  	s29 =	sand.u32 $0x70, s4;
	s30 =	sshrl.u32 s28, $0x2  }
0x14: {  	s28 =	simm.s32 $0x40;
	s30 =	sor.u32 s29, s30;
	s29 =	simm.s32 $0x0  }
.LBB2_2:
0x15: {  	p0 =	sne.s32 s28, $0xFFC0  }
0x16: {  	[tilespmem:s30+$0x2800] =	vst v0;
	s29 =	sadd.s32 $0x10, s29;
	s30 =	smov.u32 s28;
	s28 =	sadd.s32 $0x40, s28  }
.Ltmp0:
0x17: {  	(pc) =	sbr.rel @p0 .LBB2_2-.Ltmp0, $4  }
0x18: {  	_ = 	snop  }
0x19: {  	s30 =	sand.u32 $0xFE00, s30  }
0x1a: {  	s31 =	sand.u32 $0x70, s29;
	s30 =	sshrl.u32 s30, $0x2  }
0x1b: {  	s30 =	sor.u32 s31, s30  }
0x1c: {  	[tilespmem:s30+$0x2800] =	vst v0  }
0x1d: {  	[spmem:s5] =	stream.linear.scatter [tilespmem:s16], [sflag:$0x3], $0x4000, $0x38;
	[tilespmem:$0x1E800] =	vst v63  }
0x1e: {  	_ =	swait.ge [sflag:s17], $0x4000  }
0x1f: {  	[sflag:s17] =	ssyncset.done $0x0  }
0x20: {  	[sflag:s17] =	ssyncadd.s32 $0xFFFFC000  }
0x21: {  	[spmem:s8] =	stream.linear.scatter [tilespmem:s16], [sflag:$0x3], $0x4000, $0x38;
	[tilespmem:$0x1E800] =	vst v63  }
0x22: {  	_ =	swait.ge [sflag:s17], $0x4000  }
0x23: {  	[sflag:s17] =	ssyncset.done $0x0  }
0x24: {  	[sflag:s17] =	ssyncadd.s32 $0xFFFFC000  }
0x25: {  	[spmem:s9] =	stream.linear.scatter [tilespmem:s16], [sflag:$0x3], $0x4000, $0x38;
	[tilespmem:$0x1E800] =	vst v63  }
0x26: {  	_ =	swait.ge [sflag:s17], $0x4000  }
0x27: {  	[sflag:s17] =	ssyncset.done $0x0  }
0x28: {  	[sflag:s17] =	ssyncadd.s32 $0xFFFFC000  }
0x29: {  	[spmem:s10] =	stream.linear.scatter [tilespmem:s16], [sflag:$0x3], $0x4000, $0x38;
	[tilespmem:$0x1E800] =	vst v63  }
0x2a: {  	_ =	swait.ge [sflag:s17], $0x4000  }
0x2b: {  	[sflag:s17] =	ssyncset.done $0x0  }
0x2c: {  	[sflag:s17] =	ssyncadd.s32 $0xFFFFC000  }
0x2d: {  	[spmem:s11] =	stream.linear.scatter [tilespmem:s16], [sflag:$0x3], $0x4000, $0x38;
	[tilespmem:$0x1E800] =	vst v63  }
0x2e: {  	_ =	swait.ge [sflag:s17], $0x4000  }
0x2f: {  	[sflag:s17] =	ssyncset.done $0x0  }
0x30: {  	[sflag:s17] =	ssyncadd.s32 $0xFFFFC000  }
0x31: {  	s28 =	simm.s32 $0x0;
	[bflag:$0x0] =	sbarrier.arrive $0xFFFF  }
0x32: {  	[tilespmem:s28], [sflag:$0x3] =	stream.linear.gather [hbm4b:s12+s28], $0x1400, $0x38;
	[tilespmem:$0x1E800] =	vst v63  }
0x33: {  	_ =	swait.ge [sflag:s17], $0x1400  }
0x34: {  	[sflag:s17] =	ssyncset.done $0x0  }
0x35: {  	[sflag:s17] =	ssyncadd.s32 $0xFFFFEC00  }
0x36: {  	[tilespmem:s18], [sflag:$0x3] =	stream.linear.gather [hbm4b:s13+s28], $0x1400, $0x38;
	[tilespmem:$0x1E800] =	vst v63  }
0x37: {  	_ =	swait.ge [sflag:s17], $0x1400  }
0x38: {  	[sflag:s17] =	ssyncset.done $0x0  }
0x39: {  	[sflag:s17] =	ssyncadd.s32 $0xFFFFEC00  }
0x3a: {  	[tilespmem:s16], [sflag:$0x1] =	stream.indirect.gather [hbm4b:s1+s19], $0x80, s28, s19, $0xb8;
	[tilespmem:$0x1E800] =	vst v63  }
0x3b: {  	s28 =	simm.s32 $0x80  }
0x3c: {  	[tilespmem:s20], [sflag:$0x2] =	stream.indirect.gather [hbm4b:s1+s19], $0x80, s28, s19, $0xb8;
	[tilespmem:$0x1E800] =	vst v63  }
0x3d: {  	_ =	swait.ge [sflag:s21], $0x4000  }
0x3e: {  	[sflag:s21] =	ssyncset.done $0x0  }
0x3f: {  	s28 =	simm.s32 $0x1400;
	[sflag:s21] =	ssyncadd.s32 $0xFFFFC000  }
0x40: {  	[spmem:s2] =	stream.indirect.scatter.add.f32 [tilespmem:s16], [sflag:$0x3], $0x80, s28, s19, $0xb8;
	[tilespmem:$0x1E800] =	vst v63  }
0x41: {  	_ =	swait.ge [sflag:s17], $0x4000  }
0x42: {  	[sflag:s17] =	ssyncset.done $0x0  }
0x43: {  	s28 =	simm.s32 $0x100;
	[sflag:s17] =	ssyncadd.s32 $0xFFFFC000  }
0x44: {  	[tilespmem:s16], [sflag:$0x1] =	stream.indirect.gather [hbm4b:s1+s19], $0x80, s28, s19, $0xb8;
	[tilespmem:$0x1E800] =	vst v63  }
0x45: {  	_ =	swait.ge [sflag:s22], $0x4000  }
0x46: {  	[sflag:s22] =	ssyncset.done $0x0  }
0x47: {  	s28 =	simm.s32 $0x1480;
	[sflag:s22] =	ssyncadd.s32 $0xFFFFC000  }
0x48: {  	[spmem:s2] =	stream.indirect.scatter.add.f32 [tilespmem:s20], [sflag:$0x3], $0x80, s28, s19, $0xb8;
	[tilespmem:$0x1E800] =	vst v63  }
0x49: {  	_ =	swait.ge [sflag:s17], $0x4000  }
0x4a: {  	s29 =	simm.s32 $0x800;
	s28 =	simm.s32 $0x100;
	[sflag:s17] =	ssyncset.done $0x0  }
.LBB2_4:
0x4b: {  	s30 =	sadd.s32 $0x80, s28  }
0x4c: {  	[sflag:s17] =	ssyncadd.s32 $0xFFFFC000;
	s31 =	smov.u32 s29;
	s0 =	sadd.s32 $0x400, s29  }
0x4d: {  	[tilespmem:s20], [sflag:$0x2] =	stream.indirect.gather [hbm4b:s1+s19], $0x80, s30, s19, $0xb8;
	[tilespmem:$0x1E800] =	vst v63  }
0x4e: {  	p0 =	sne.s32 s29, $0x4800;
	_ =	swait.ge [sflag:s21], $0x4000  }
0x4f: {  	[sflag:s21] =	ssyncset.done $0x0  }
0x50: {  	s29 =	sadd.s32 $0x1400, s28;
	[sflag:s21] =	ssyncadd.s32 $0xFFFFC000  }
0x51: {  	[spmem:s2] =	stream.indirect.scatter.add.f32 [tilespmem:s16], [sflag:$0x3], $0x80, s29, s19, $0xb8;
	[tilespmem:$0x1E800] =	vst v63  }
0x52: {  	_ =	swait.ge [sflag:s17], $0x4000  }
0x53: {  	[sflag:s17] =	ssyncset.done $0x0  }
0x54: {  	s29 =	sadd.s32 $0x100, s28;
	[sflag:s17] =	ssyncadd.s32 $0xFFFFC000  }
0x55: {  	[tilespmem:s16], [sflag:$0x1] =	stream.indirect.gather [hbm4b:s1+s19], $0x80, s29, s19, $0xb8;
	[tilespmem:$0x1E800] =	vst v63  }
0x56: {  	_ =	swait.ge [sflag:s22], $0x4000  }
.Ltmp1:
0x57: {  	[sflag:s22] =	ssyncset.done $0x0;
	(pc) =	sbr.rel @p0 .LBB2_4-.Ltmp1, $4  }
0x58: {  	s28 =	sadd.s32 $0x1480, s28;
	[sflag:s22] =	ssyncadd.s32 $0xFFFFC000  }
0x59: {  	[spmem:s2] =	stream.indirect.scatter.add.f32 [tilespmem:s20], [sflag:$0x3], $0x80, s28, s19, $0xb8;
	[tilespmem:$0x1E800] =	vst v63  }
0x5a: {  	_ =	swait.ge [sflag:s17], $0x4000  }
0x5b: {  	s29 =	smov.u32 s0;
	s28 =	sshra.s32 s31, $0x2;
	[sflag:s17] =	ssyncset.done $0x0  }
0x5c: {  	s0 =	sadd.s32 $0x80, s28;
	[sflag:s17] =	ssyncadd.s32 $0xFFFFC000  }
0x5d: {  	[tilespmem:s20], [sflag:$0x2] =	stream.indirect.gather [hbm4b:s1+s19], $0x80, s0, s19, $0xb8;
	[tilespmem:$0x1E800] =	vst v63  }
0x5e: {  	_ =	swait.ge [sflag:s21], $0x4000  }
0x5f: {  	[sflag:s21] =	ssyncset.done $0x0  }
0x60: {  	s30 =	sadd.s32 $0x1400, s28;
	[sflag:s21] =	ssyncadd.s32 $0xFFFFC000  }
0x61: {  	[spmem:s2] =	stream.indirect.scatter.add.f32 [tilespmem:s16], [sflag:$0x3], $0x80, s30, s19, $0xb8;
	[tilespmem:$0x1E800] =	vst v63  }
0x62: {  	_ =	swait.ge [sflag:s17], $0x4000  }
0x63: {  	[sflag:s17] =	ssyncset.done $0x0  }
0x64: {  	s31 =	sadd.s32 $0x100, s28;
	[sflag:s17] =	ssyncadd.s32 $0xFFFFC000  }
0x65: {  	[tilespmem:s16], [sflag:$0x1] =	stream.indirect.gather [hbm4b:s1+s19], $0x80, s31, s19, $0xb8;
	[tilespmem:$0x1E800] =	vst v63  }
0x66: {  	_ =	swait.ge [sflag:s22], $0x4000  }
0x67: {  	[sflag:s22] =	ssyncset.done $0x0  }
0x68: {  	s30 =	sadd.s32 $0x1480, s28;
	[sflag:s22] =	ssyncadd.s32 $0xFFFFC000  }
0x69: {  	[spmem:s2] =	stream.indirect.scatter.add.f32 [tilespmem:s20], [sflag:$0x3], $0x80, s30, s19, $0xb8;
	[tilespmem:$0x1E800] =	vst v63  }
0x6a: {  	_ =	swait.ge [sflag:s17], $0x4000  }
0x6b: {  	[sflag:s17] =	ssyncset.done $0x0  }
0x6c: {  	[sflag:s17] =	ssyncadd.s32 $0xFFFFC000  }
0x6d: {  	[tilespmem:s20], [sflag:$0x2] =	stream.indirect.gather [hbm4b:s1+s19], $0x80, s23, s19, $0xb8;
	[tilespmem:$0x1E800] =	vst v63  }
0x6e: {  	_ =	swait.ge [sflag:s21], $0x4000  }
0x6f: {  	[sflag:s21] =	ssyncset.done $0x0  }
0x70: {  	[sflag:s21] =	ssyncadd.s32 $0xFFFFC000  }
0x71: {  	[spmem:s2] =	stream.indirect.scatter.add.f32 [tilespmem:s16], [sflag:$0x3], $0x80, s24, s19, $0xb8;
	[tilespmem:$0x1E800] =	vst v63  }
0x72: {  	_ =	swait.ge [sflag:s17], $0x4000  }
0x73: {  	[sflag:s17] =	ssyncset.done $0x0  }
0x74: {  	[sflag:s17] =	ssyncadd.s32 $0xFFFFC000  }
0x75: {  	_ =	swait.ge [sflag:s22], $0x4000  }
0x76: {  	[sflag:s22] =	ssyncset.done $0x0  }
0x77: {  	[sflag:s22] =	ssyncadd.s32 $0xFFFFC000  }
0x78: {  	[spmem:s2] =	stream.indirect.scatter.add.f32 [tilespmem:s20], [sflag:$0x3], $0x80, s25, s19, $0xb8;
	[tilespmem:$0x1E800] =	vst v63  }
0x79: {  	_ =	swait.ge [sflag:s17], $0x4000  }
0x7a: {  	[sflag:s17] =	ssyncset.done $0x0  }
0x7b: {  	s31 =	simm.s32 $0x0;
	[sflag:s17] =	ssyncadd.s32 $0xFFFFC000  }
0x7c: {  	[tilespmem:s31], [sflag:$0x3] =	stream.linear.gather [hbm4b:s14+s31], $0x1400, $0x38;
	[tilespmem:$0x1E800] =	vst v63  }
0x7d: {  	_ =	swait.ge [sflag:s17], $0x1400  }
0x7e: {  	[sflag:s17] =	ssyncset.done $0x0  }
0x7f: {  	[sflag:s17] =	ssyncadd.s32 $0xFFFFEC00  }
0x80: {  	[tilespmem:s18], [sflag:$0x3] =	stream.linear.gather [hbm4b:s15+s31], $0x1400, $0x38;
	[tilespmem:$0x1E800] =	vst v63  }
0x81: {  	_ =	swait.ge [sflag:s17], $0x1400  }
0x82: {  	[sflag:s17] =	ssyncset.done $0x0  }
0x83: {  	[sflag:s17] =	ssyncadd.s32 $0xFFFFEC00  }
0x84: {  	[tilespmem:s16], [sflag:$0x1] =	stream.indirect.gather [hbm4b:s1+s19], $0x80, s31, s19, $0xb8;
	[tilespmem:$0x1E800] =	vst v63  }
0x85: {  	s30 =	simm.s32 $0x80  }
0x86: {  	[tilespmem:s20], [sflag:$0x2] =	stream.indirect.gather [hbm4b:s1+s19], $0x80, s30, s19, $0xb8;
	[tilespmem:$0x1E800] =	vst v63  }
0x87: {  	_ =	swait.ge [sflag:s21], $0x4000  }
0x88: {  	[sflag:s21] =	ssyncset.done $0x0  }
0x89: {  	s31 =	simm.s32 $0x1400;
	[sflag:s21] =	ssyncadd.s32 $0xFFFFC000  }
0x8a: {  	[spmem:s2] =	stream.indirect.scatter.add.f32 [tilespmem:s16], [sflag:$0x3], $0x80, s31, s19, $0xb8;
	[tilespmem:$0x1E800] =	vst v63  }
0x8b: {  	_ =	swait.ge [sflag:s17], $0x4000  }
0x8c: {  	[sflag:s17] =	ssyncset.done $0x0  }
0x8d: {  	s30 =	simm.s32 $0x100;
	[sflag:s17] =	ssyncadd.s32 $0xFFFFC000  }
0x8e: {  	[tilespmem:s16], [sflag:$0x1] =	stream.indirect.gather [hbm4b:s1+s19], $0x80, s30, s19, $0xb8;
	[tilespmem:$0x1E800] =	vst v63  }
0x8f: {  	_ =	swait.ge [sflag:s22], $0x4000  }
0x90: {  	[sflag:s22] =	ssyncset.done $0x0  }
0x91: {  	s31 =	simm.s32 $0x1480;
	[sflag:s22] =	ssyncadd.s32 $0xFFFFC000  }
0x92: {  	[spmem:s2] =	stream.indirect.scatter.add.f32 [tilespmem:s20], [sflag:$0x3], $0x80, s31, s19, $0xb8;
	[tilespmem:$0x1E800] =	vst v63  }
0x93: {  	_ =	swait.ge [sflag:s17], $0x4000  }
0x94: {  	s29 =	simm.s32 $0x800;
	s28 =	simm.s32 $0x100;
	[sflag:s17] =	ssyncset.done $0x0  }
.LBB2_6:
0x95: {  	s0 =	sadd.s32 $0x80, s28  }
0x96: {  	[sflag:s17] =	ssyncadd.s32 $0xFFFFC000;
	s30 =	smov.u32 s29;
	s31 =	sadd.s32 $0x400, s29  }
0x97: {  	[tilespmem:s20], [sflag:$0x2] =	stream.indirect.gather [hbm4b:s1+s19], $0x80, s0, s19, $0xb8;
	[tilespmem:$0x1E800] =	vst v63  }
0x98: {  	p0 =	sne.s32 s29, $0x4800;
	_ =	swait.ge [sflag:s21], $0x4000  }
0x99: {  	[sflag:s21] =	ssyncset.done $0x0  }
0x9a: {  	s0 =	sadd.s32 $0x1400, s28;
	[sflag:s21] =	ssyncadd.s32 $0xFFFFC000  }
0x9b: {  	[spmem:s2] =	stream.indirect.scatter.add.f32 [tilespmem:s16], [sflag:$0x3], $0x80, s0, s19, $0xb8;
	[tilespmem:$0x1E800] =	vst v63  }
0x9c: {  	_ =	swait.ge [sflag:s17], $0x4000  }
0x9d: {  	[sflag:s17] =	ssyncset.done $0x0  }
0x9e: {  	s0 =	sadd.s32 $0x100, s28;
	[sflag:s17] =	ssyncadd.s32 $0xFFFFC000  }
0x9f: {  	[tilespmem:s16], [sflag:$0x1] =	stream.indirect.gather [hbm4b:s1+s19], $0x80, s0, s19, $0xb8;
	[tilespmem:$0x1E800] =	vst v63  }
0xa0: {  	_ =	swait.ge [sflag:s22], $0x4000  }
.Ltmp2:
0xa1: {  	[sflag:s22] =	ssyncset.done $0x0;
	(pc) =	sbr.rel @p0 .LBB2_6-.Ltmp2, $4  }
0xa2: {  	s0 =	sadd.s32 $0x1480, s28;
	[sflag:s22] =	ssyncadd.s32 $0xFFFFC000  }
0xa3: {  	[spmem:s2] =	stream.indirect.scatter.add.f32 [tilespmem:s20], [sflag:$0x3], $0x80, s0, s19, $0xb8;
	[tilespmem:$0x1E800] =	vst v63  }
0xa4: {  	_ =	swait.ge [sflag:s17], $0x4000  }
0xa5: {  	s29 =	smov.u32 s31;
	s28 =	sshra.s32 s30, $0x2;
	[sflag:s17] =	ssyncset.done $0x0  }
0xa6: {  	s0 =	sadd.s32 $0x80, s28;
	[sflag:s17] =	ssyncadd.s32 $0xFFFFC000  }
0xa7: {  	[tilespmem:s20], [sflag:$0x2] =	stream.indirect.gather [hbm4b:s1+s19], $0x80, s0, s19, $0xb8;
	[tilespmem:$0x1E800] =	vst v63  }
0xa8: {  	_ =	swait.ge [sflag:s21], $0x4000  }
0xa9: {  	[sflag:s21] =	ssyncset.done $0x0  }
0xaa: {  	s30 =	sadd.s32 $0x1400, s28;
	[sflag:s21] =	ssyncadd.s32 $0xFFFFC000  }
0xab: {  	[spmem:s2] =	stream.indirect.scatter.add.f32 [tilespmem:s16], [sflag:$0x3], $0x80, s30, s19, $0xb8;
	[tilespmem:$0x1E800] =	vst v63  }
0xac: {  	_ =	swait.ge [sflag:s17], $0x4000  }
0xad: {  	[sflag:s17] =	ssyncset.done $0x0  }
0xae: {  	s31 =	sadd.s32 $0x100, s28;
	[sflag:s17] =	ssyncadd.s32 $0xFFFFC000  }
0xaf: {  	[tilespmem:s16], [sflag:$0x1] =	stream.indirect.gather [hbm4b:s1+s19], $0x80, s31, s19, $0xb8;
	[tilespmem:$0x1E800] =	vst v63  }
0xb0: {  	_ =	swait.ge [sflag:s22], $0x4000  }
0xb1: {  	[sflag:s22] =	ssyncset.done $0x0  }
0xb2: {  	s29 =	sadd.s32 $0x1480, s28;
	[sflag:s22] =	ssyncadd.s32 $0xFFFFC000  }
0xb3: {  	[spmem:s2] =	stream.indirect.scatter.add.f32 [tilespmem:s20], [sflag:$0x3], $0x80, s29, s19, $0xb8;
	[tilespmem:$0x1E800] =	vst v63  }
0xb4: {  	_ =	swait.ge [sflag:s17], $0x4000  }
0xb5: {  	[sflag:s17] =	ssyncset.done $0x0  }
0xb6: {  	[sflag:s17] =	ssyncadd.s32 $0xFFFFC000  }
0xb7: {  	[tilespmem:s20], [sflag:$0x2] =	stream.indirect.gather [hbm4b:s1+s19], $0x80, s23, s19, $0xb8;
	[tilespmem:$0x1E800] =	vst v63  }
0xb8: {  	_ =	swait.ge [sflag:s21], $0x4000  }
0xb9: {  	[sflag:s21] =	ssyncset.done $0x0  }
0xba: {  	[sflag:s21] =	ssyncadd.s32 $0xFFFFC000  }
0xbb: {  	[spmem:s2] =	stream.indirect.scatter.add.f32 [tilespmem:s16], [sflag:$0x3], $0x80, s24, s19, $0xb8;
	[tilespmem:$0x1E800] =	vst v63  }
0xbc: {  	_ =	swait.ge [sflag:s17], $0x4000  }
0xbd: {  	[sflag:s17] =	ssyncset.done $0x0  }
0xbe: {  	[sflag:s17] =	ssyncadd.s32 $0xFFFFC000  }
0xbf: {  	_ =	swait.ge [sflag:s22], $0x4000  }
0xc0: {  	[sflag:s22] =	ssyncset.done $0x0  }
0xc1: {  	[sflag:s22] =	ssyncadd.s32 $0xFFFFC000  }
0xc2: {  	[spmem:s2] =	stream.indirect.scatter.add.f32 [tilespmem:s20], [sflag:$0x3], $0x80, s25, s19, $0xb8;
	[tilespmem:$0x1E800] =	vst v63  }
0xc3: {  	_ =	swait.ge [sflag:s17], $0x4000  }
0xc4: {  	s26 =	sadd.s32 $0x1, s26;
	s30 =	sshll.u32 s3, $0x6;
	[sflag:s17] =	ssyncset.done $0x0  }
0xc5: {  	p0 =	sne.s32 s26, s7;
	s0 =	sor.u32 $0x1C03, s30;
	[sflag:s17] =	ssyncadd.s32 $0xFFFFC000  }
.Ltmp3:
0xc6: {  	s31 =	sshrl.u32 s5, $0x3;
	[bflag:$0x0] =	sbarrier.arrive $0xFFFF;
	(pc) =	sbr.rel @p0 .LBB2_1-.Ltmp3, $4  }
0xc7: {  	[hbm:s6], [sflag:s0] =	dma.local [spmem:s31], $0x2800  }
0xc8: {  	_ =	swait.ge [sflag:s17], $0x2800  }
0xc9: {  	[sflag:s17] =	ssyncset.done $0x0  }
0xca: {  	[sflag:s17] =	ssyncadd.s32 $0xFFFFD800  }
0xcb: {  	_ =	sfence.sel $0x180000  }
0xcc: {  	[bflag:$0x0] =	sbarrier.arrive $0xFFFF  }
0xcd: {  	_ =	strace $0x9000004D  }
0xce: {  	[bflag:$0x2] =	sbarrier.arrive $0xFFFF  }
0xcf: {  	p0 =	sne.s32 s3, $0x0;
	s0 =	rddreg [dreg:$0x3]  }
0xd0: {  	s0 =	sadd.s32 @!p0 $0x100000, s0  }
0xd1: {  	[sflag:s0] =	ssyncadd.tile.s32 @!p0 $0x1;
	_ =	shalt  }
.Lfunc_end2:
_tile_overlayer_lowered:
.L_overlay_start_2:
0xd2: {  	(tag) =	ssettag $0x2  }
0xd3: {  	s0 =	rddreg [dreg:$0x0];
	s2 =	stileid.u32  }
0xd4: {  	s1 =	rddreg [dreg:$0x1];
	p0 =	sne.s32 s2, $0x0  }
0xd5: {  	s3 =	rddreg [dreg:$0x2];
	[bflag:$0x3] =	sbarrier.arrive $0xFFFF;
	s2 =	simm.s32 @!p0 $0x1C03  }
0xd6: {  	[timem:s3], [sflag:s2] =	dma.local @!p0 [hbm:s0], s1  }
0xd7: {  	s0 =	simm.s32 @!p0 $0x3  }
0xd8: {  	_ =	swait.ge @!p0 [sflag:s0], s1  }
0xd9: {  	s1 =	ssub.s32 @!p0 $0x0, s1;
	[sflag:s0] =	ssyncset.done @!p0 $0x0  }
0xda: {  	[sflag:s0] =	ssyncadd.s32 @!p0 s1  }
0xdb: {  	[bflag:$0x3] =	sbarrier.arrive $0xFFFF  }
0xdc: {  	_ =	shalt  }

// kernel: kernel.8.cloned.1.call-start
scs
__scs_entry_jumppad:
0x0: {  	(pc) =	sbr.rel $0x88, $3  }
0x1: {  	(tag) =	ssettag $0x0;
	lr =	simm.s32 $0x1  }
0x2: {  	[smem:$0x3F9B] =	sst lr;
	_ =	strace $0xD0000000  }
0x3: {  	_ = 	snop  }
0x4: {  	_ = 	snop  }
0x5: {  	_ = 	snop  }
0x6: {  	_ = 	snop  }
0x7: {  	_ = 	snop  }
__scs_overlays_trampoline_lowered:
0x8: {  	[smem:$0x3FAA] =	sst s0  }
0x9: {  	[smem:$0x3FAB] =	sst s1  }
0xa: {  	[smem:$0x3FAC] =	sst s2  }
0xb: {  	[smem:$0x3FAD] =	sst s3  }
0xc: {  	[smem:$0x3FAE] =	sst s4  }
0xd: {  	[smem:$0x3FAF] =	sst s5  }
0xe: {  	[smem:$0x3FB0] =	sst s6  }
0xf: {  	[smem:$0x3FB1] =	sst s7  }
0x10: {  	[smem:$0x3FB2] =	sst s8  }
0x11: {  	[smem:$0x3FB3] =	sst s9;
	s0 =	simm.s32 @!p0 $0x0  }
0x12: {  	s1 =	sld [smem:$0x3F99];
	s0 =	simm.s32 @p0 $0x1  }
0x13: {  	[smem:$0x3FB4] =	sst s0;
	s0 =	simm.s32 @!p1 $0x0  }
0x14: {  	s2 =	sld [smem:$0x3F98];
	s0 =	simm.s32 @p1 $0x1  }
0x15: {  	[smem:$0x3FB5] =	sst s0;
	s0 =	simm.s32 @!p2 $0x0  }
0x16: {  	s3 =	sld [smem:$0x3FDB];
	s0 =	simm.s32 @p2 $0x1  }
0x17: {  	s4 =	simm.s32 $0x1BF5;
	[smem:$0x3FB7] =	sst s0  }
0x18: {  	s0 =	sld [smem:$0x3F9A];
	_ =	swait.ge [sflag:s4], $0x0  }
0x19: {  	s7 =	sld [smem:$0x3F9B]  }
0x1a: {  	s8 =	sadd.s32 $0xFFFFE003, lr  }
0x1b: {  	s9 =	sadd.s32 $0xFFFFFEF7, lr;
	s5 =	simm.s32 $0xFFFFFFFF;
	p2 =	slt.u32 s8, $0xFFFFF086  }
0x1c: {  	p1 =	slt.u32 s9, $0xF7A;
	s5 =	simm.s32 @!p2 $0x0  }
0x1d: {  	s5 =	simm.s32 @p1 $0x1;
	p0 =	seq.s32 s7, s2  }
0x1e: {  	s7 =	smul.u32 @!p0 $0xF7A, s2;
	p2 =	seq.s32 @!p0 s5, $0x0  }
0x1f: {  	s9 =	smul.u32 $0xF7A, s1;
	s8 =	simm.s32 @!p0 $0x1BF5;
	p2 =	por !p2, p0  }
0x20: {  	[sflag:s8] =	ssyncset.s32 @!p0 $0xFFFFF086;
	s6 =	sadd.s32 @!p0 s3, s7;
	s7 =	simm.s32 @!p0 $0x108  }
0x21: {  	s3 =	sadd.s32 s3, s9;
	s6 =	sadd.s32 @!p0 $0x88, s6;
	s7 =	simm.s32 @p2 $0x1082  }
0x22: {  	[simem:s7], [sflag:s8] =	dma.local @!p0 [hbm:s6], $0xF7A  }
0x23: {  	s9 =	sor.u32 $0xD0000000, s2;
	s6 =	simm.s32 $0x108;
	_ =	swait.ge @!p0 [sflag:s8], $0x0  }
0x24: {  	s3 =	sadd.s32 $0x88, s3;
	s6 =	simm.s32 @!p1 $0x1082;
	[sflag:s4] =	ssyncset.s32 $0xFFFFF086  }
0x25: {  	[simem:s6], [sflag:s4] =	dma.local [hbm:s3], $0xF7A  }
0x26: {  	[smem:$0x3F9B] =	sst s1;
	(tag) =	ssettag s2;
	_ =	strace s9  }
0x27: {  	s1 =	sld [smem:$0x3FAB]  }
0x28: {  	s2 =	sld [smem:$0x3FAC]  }
0x29: {  	s4 =	sld [smem:$0x3FAE]  }
0x2a: {  	p0 =	seq.s32 s5, $0x0;
	s5 =	sld [smem:$0x3FAF]  }
0x2b: {  	s6 =	sld [smem:$0x3FB0]  }
0x2c: {  	s7 =	sld [smem:$0x3FB1]  }
0x2d: {  	s3 =	simm.s32 $0x108;
	s8 =	sld [smem:$0x3FB2]  }
0x2e: {  	s3 =	simm.s32 @!p0 $0x1082;
	s9 =	sld [smem:$0x3FB3]  }
0x2f: {  	lr =	sadd.s32 s0, s3;
	s0 =	sld [smem:$0x3FAA]  }
0x30: {  	s3 =	sld [smem:$0x3FAD]  }
0x31: {  	[smem:$0x3FB6] =	sst s10  }
0x32: {  	s10 =	sld [smem:$0x3FB4];
	_ =	sdelay $0x3  }
0x33: {  	p0 =	seq.s32 s10, $0x1;
	s10 =	sld [smem:$0x3FB6];
	_ =	sdelay $0x3  }
0x34: {  	[smem:$0x3FB6] =	sst s10  }
0x35: {  	s10 =	sld [smem:$0x3FB5];
	_ =	sdelay $0x3  }
0x36: {  	p1 =	seq.s32 s10, $0x1;
	s10 =	sld [smem:$0x3FB6];
	_ =	sdelay $0x3  }
0x37: {  	[smem:$0x3FB6] =	sst s10  }
0x38: {  	s10 =	sld [smem:$0x3FB7]  }
0x39: {  	_ = 	snop;
	(pc) =	sbr.ind lr, $3  }
0x3a: {  	_ = 	snop  }
0x3b: {  	_ = 	snop  }
0x3c: {  	p2 =	seq.s32 s10, $0x1;
	s10 =	sld [smem:$0x3FB6]  }
0x3d: {  	_ =	shalt  }
0x3e: {  	_ =	shalt  }
0x3f: {  	_ =	shalt  }
0x40: {  	_ =	shalt  }
0x41: {  	_ =	shalt  }
0x42: {  	_ =	shalt  }
0x43: {  	_ =	shalt  }
0x44: {  	_ =	shalt  }
0x45: {  	_ =	shalt  }
0x46: {  	_ =	shalt  }
0x47: {  	_ =	shalt  }
0x48: {  	_ =	shalt  }
0x49: {  	_ =	shalt  }
0x4a: {  	_ =	shalt  }
0x4b: {  	_ =	shalt  }
0x4c: {  	_ =	shalt  }
0x4d: {  	_ =	shalt  }
0x4e: {  	_ =	shalt  }
0x4f: {  	_ =	shalt  }
0x50: {  	_ =	shalt  }
0x51: {  	_ =	shalt  }
0x52: {  	_ =	shalt  }
0x53: {  	_ =	shalt  }
0x54: {  	_ =	shalt  }
0x55: {  	_ =	shalt  }
0x56: {  	_ =	shalt  }
0x57: {  	_ =	shalt  }
0x58: {  	_ =	shalt  }
0x59: {  	_ =	shalt  }
0x5a: {  	_ =	shalt  }
0x5b: {  	_ =	shalt  }
0x5c: {  	_ =	shalt  }
0x5d: {  	_ =	shalt  }
0x5e: {  	_ =	shalt  }
0x5f: {  	_ =	shalt  }
0x60: {  	_ =	shalt  }
0x61: {  	_ =	shalt  }
0x62: {  	_ =	shalt  }
0x63: {  	_ =	shalt  }
0x64: {  	_ =	shalt  }
0x65: {  	_ =	shalt  }
0x66: {  	_ =	shalt  }
0x67: {  	_ =	shalt  }
0x68: {  	_ =	shalt  }
0x69: {  	_ =	shalt  }
0x6a: {  	_ =	shalt  }
0x6b: {  	_ =	shalt  }
0x6c: {  	_ =	shalt  }
0x6d: {  	_ =	shalt  }
0x6e: {  	_ =	shalt  }
0x6f: {  	_ =	shalt  }
0x70: {  	_ =	shalt  }
0x71: {  	_ =	shalt  }
0x72: {  	_ =	shalt  }
0x73: {  	_ =	shalt  }
0x74: {  	_ =	shalt  }
0x75: {  	_ =	shalt  }
0x76: {  	_ =	shalt  }
0x77: {  	_ =	shalt  }
0x78: {  	_ =	shalt  }
0x79: {  	_ =	shalt  }
0x7a: {  	_ =	shalt  }
0x7b: {  	_ =	shalt  }
0x7c: {  	_ =	shalt  }
0x7d: {  	_ =	shalt  }
0x7e: {  	_ =	shalt  }
0x7f: {  	_ =	shalt  }
0x80: {  	_ =	shalt  }
0x81: {  	_ =	shalt  }
0x82: {  	_ =	shalt  }
0x83: {  	_ =	shalt  }
0x84: {  	_ =	shalt  }
0x85: {  	_ =	shalt  }
0x86: {  	_ =	shalt  }
0x87: {  	_ =	shalt  }
.Lfunc_end0:
.L_simem_size_0:
called_computation_lowered:
.L_overlay_start_0:
0x88: {  	s2 =	sld [smem:$0x3FD9]  }
0x89: {  	s3 =	sld [smem:$0x3FFE];
	_ =	sdelay $0x1  }
0x8a: {  	s1 =	srdreg.scid  }
0x8b: {  	s0 =	sand.u32 $0x1, s1  }
0x8c: {  	s17 =	sshll.u32 s0, $0xA;
	s2 =	sadd.s32 s3, s2  }
0x8d: {  	s2 =	sadd.s32 s2, s17  }
0x8e: {  	[smem:$0x3FC2] =	sst s2  }
0x8f: {  	_ = 	snop  }
0x90: {  	s2 =	sld [smem:$0x3FD0];
	(tm) =	ssettm $0x1  }
0x91: {  	s18 =	sld [smem:$0x3FFB];
	_ =	sdelay $0x3  }
0x92: {  	_ =	strace s18  }
0x93: {  	s3 =	sld [smem:$0x3FFC];
	_ =	sdelay $0x3  }
0x94: {  	_ =	strace s3  }
0x95: {  	s3 =	sld [smem:$0x3FFD];
	_ =	sdelay $0x3  }
0x96: {  	_ =	strace s3  }
0x97: {  	_ =	strace $0x8FFFFFFF  }
0x98: {  	s19 =	sld [smem:$0x3FDB];
	_ =	sdelay $0x1  }
0x99: {  	s4 =	simm.s32 $_scs_section_size  }
0x9a: {  	s5 =	simm.s32 $_size__tile_overlayer_lowered;
	s6 =	simm.s32 $_tile_overlayer_lowered  }
0x9b: {  	s22 =	simm.s32 $0x1BFF;
	s21 =	sshll.u32 s6, $0x1;
	s3 =	sadd.s32 s4, s19  }
0x9c: {  	s7 =	simm.s32 $0x0;
	s20 =	sshll.u32 s5, $0x1;
	s5 =	sadd.s32 s21, s3  }
0x9d: {  	[timem:s7], [sflag:s22] =	dma.local [hbm:s5], s20  }
0x9e: {  	_ =	swait.ge [sflag:s22], s20  }
0x9f: {  	s4 =	ssub.s32 $0x0, s20;
	[sflag:s22] =	ssyncset.done $0x0  }
0xa0: {  	[sflag:s22] =	ssyncadd.s32 s4;
	_ =	sdelay $0x1  }
0xa1: {  	s23 =	simm.s32 $0x1B8B  }
0xa2: {  	_ =	swait.ge [sflag:s23], $0x1  }
0xa3: {  	[sflag:s23] =	ssyncset.done $0x0  }
0xa4: {  	s25 =	simm.s32 $0x1B8E;
	s24 =	sld [smem:$0x3FFE];
	[sflag:s23] =	ssyncadd.s32 $0xFFFFFFFF  }
0xa5: {  	s26 =	simm.s32 $execute0_lowered;
	[smem:$0x3FD2] =	sst s25  }
0xa6: {  	s5 =	sshll.u32 s26, $0x1;
	_ =	strace $0x80000046;
	[dreg:$0x1] =	wrdreg $0xFFFFFFFF  }
0xa7: {  	s28 =	simm.s32 $_size_execute0_lowered;
	s3 =	sadd.s32 s3, s5;
	[dreg:$0x0] =	wrdreg $0x0  }
0xa8: {  	s5 =	sshll.u32 s28, $0x1;
	[dreg:$0x2] =	wrdreg s3  }
0xa9: {  	[dreg:$0x3] =	wrdreg s5  }
0xaa: {  	[dreg:$0x4] =	wrdreg $0xC0  }
0xab: {  	_ =	task [dreg:s7], $0x5FFFF  }
0xac: {  	[dreg:$0x1] =	wrdreg $0xFFFFFFFF  }
0xad: {  	[dreg:$0x0] =	wrdreg $0x60  }
0xae: {  	[dreg:$0x2] =	wrdreg s24  }
0xaf: {  	[dreg:$0x3] =	wrdreg s2  }
0xb0: {  	[dreg:$0x4] =	wrdreg $0x2B000  }
0xb1: {  	[dreg:$0x5] =	wrdreg $0x9  }
0xb2: {  	_ =	task.clear_ibuf [dreg:s7], $0x6FFFF;
	_ =	strace $0x90000046  }
0xb3: {  	s29 =	simm.s32 $0x9;
	_ =	strace $0x80000048  }
0xb4: {  	_ =	swait.ge [sflag:s29], $0x1  }
0xb5: {  	[sflag:s29] =	ssyncadd.s32 $0xFFFFFFFF  }
0xb6: {  	_ =	strace $0x90000048  }
0xb7: {  	_ =	sfence  }
0xb8: {  	s30 =	sld [smem:$0x0];
	_ =	sdelay $0x2  }
0xb9: {  	s31 =	sshll.u32 s1, $0xD;
	s1 =	sshrl.u32 s1, $0x2  }
0xba: {  	s3 =	sand.u32 $0x4000, s31;
	s1 =	sadd.s32 s1, s30  }
0xbb: {  	s0 =	sor.u32 s3, s0;
	s1 =	sshll.u32 s1, $0x11  }
0xbc: {  	s0 =	sor.u32 s1, s0  }
0xbd: {  	s0 =	sadd.s32 $0x8F2B, s0  }
0xbe: {  	[sflag:s0] =	ssyncadd.remote.s32 $0x1  }
0xbf: {  	_ =	sfence.sel $0xFFFF  }
0xc0: {  	[dreg:$0x0] =	wrdreg $0xFFFFFFFF;
	(pc) =	sbr.abs _section_cstart, $3  }
0xc1: {  	[dreg:$0x1] =	wrdreg $0xFFFFFFFF  }
0xc2: {  	_ =	task.clear_ibuf [dreg:s7], $0x2FFFF;
	_ =	strace $0x9FFFFFFF  }
0xc3: {  	(tm) =	ssettm $0x7FFFFFFF  }
tec
execute0_lowered:
.L_overlay_start_1:
0x0: {  	(tag) =	ssettag $0x1  }
0x1: {  	s4 =	rddreg [dreg:$0x0]  }
0x2: {  	s6 =	rddreg [dreg:$0x1]  }
0x3: {  	s2 =	rddreg [dreg:$0x2]  }
0x4: {  	s0 =	rddreg [dreg:$0x3]  }
0x5: {  	s3 =	srdreg.scid;
	s1 =	stileid.u32  }
0x6: {  	s11 =	simm.s32 $0x2800;
	s14 =	simm.s32 $0x0;
	s5 =	sand.u32 $0x1, s3  }
0x7: {  	s7 =	sshll.u32 s1, $0x1;
	s8 =	smul.u32 $0x280, s1;
	s3 =	simm.s32 $0x0  }
0x8: {  	s12 =	sshll.u32 s1, $0x6;
	s7 =	sor.u32 s5, s7;
	s9 =	smul.u32 $0x2800, s5  }
0x9: {  	[smem:$0x7FF] =	sst s3;
	s5 =	ssub.s32 $0x2, s5;
	s7 =	smul.u32 $0x500, s7  }
0xa: {  	s12 =	sor.u32 $0x1C01, s12;
	_ =	strace $0x80000047;
	s10 =	sshrl.u32 s5, $0x1  }
0xb: {  	s9 =	sadd.s32 s8, s9;
	s10 =	ssub.s32 s5, s10;
	s7 =	sadd.s32 s7, s4  }
0xc: {  	s9 =	sshrl.u32 s9, $0x3;
	s4 =	sadd.s32 s8, s2;
	s8 =	simm.s32 $0x2880  }
0xd: {  	s5 =	sadd.s32 $0x2800, s7;
	s6 =	sadd.s32 s6, s9;
	s7 =	smax.u32 s10, $0x1  }
0xe: {  	v0 =	vimm.f32 $1.000000000e+00;
	v1 =	vimm.f32 $0.0e+00;
	s9 =	simm.s32 $0x1;
	s10 =	simm.s32 $0x80;
	s13 =	sshrl.u32 s4, $0x3  }
.LBB2_1:
0xf: {  	[tilespmem:$0x2800] =	vst v0  }
0x10: {  	[tilespmem:$0x2810] =	vst v0  }
0x11: {  	[tilespmem:$0x2820] =	vst v0  }
0x12: {  	[tilespmem:$0x2830] =	vst v0  }
0x13: {  	[tilespmem:$0x2840] =	vst v0  }
0x14: {  	[tilespmem:$0x2850] =	vst v0  }
0x15: {  	[tilespmem:$0x2860] =	vst v0  }
0x16: {  	[tilespmem:$0x2870] =	vst v0  }
0x17: {  	[tilespmem:$0x2880] =	vst v1  }
0x18: {  	[tilespmem:$0x2890] =	vst v1  }
0x19: {  	[tilespmem:$0x28A0] =	vst v1  }
0x1a: {  	[tilespmem:$0x28B0] =	vst v1  }
0x1b: {  	[tilespmem:$0x28C0] =	vst v1  }
0x1c: {  	[tilespmem:$0x28D0] =	vst v1  }
0x1d: {  	[tilespmem:$0x28E0] =	vst v1  }
0x1e: {  	[tilespmem:$0x28F0] =	vst v1  }
0x1f: {  	[tilespmem:$0x2900] =	vst v1  }
0x20: {  	[tilespmem:$0x2910] =	vst v1  }
0x21: {  	[tilespmem:$0x2920] =	vst v1  }
0x22: {  	[tilespmem:$0x2930] =	vst v1  }
0x23: {  	[tilespmem:$0x2940] =	vst v1  }
0x24: {  	[tilespmem:$0x2950] =	vst v1  }
0x25: {  	[tilespmem:$0x2960] =	vst v1  }
0x26: {  	[tilespmem:$0x2970] =	vst v1  }
0x27: {  	[tilespmem:$0x2980] =	vst v1  }
0x28: {  	[tilespmem:$0x2990] =	vst v1  }
0x29: {  	[tilespmem:$0x29A0] =	vst v1  }
0x2a: {  	[tilespmem:$0x29B0] =	vst v1  }
0x2b: {  	[tilespmem:$0x29C0] =	vst v1  }
0x2c: {  	[tilespmem:$0x29D0] =	vst v1  }
0x2d: {  	[tilespmem:$0x29E0] =	vst v1  }
0x2e: {  	[tilespmem:$0x29F0] =	vst v1  }
0x2f: {  	[tilespmem:$0x2A00] =	vst v1  }
0x30: {  	[tilespmem:$0x2A10] =	vst v1  }
0x31: {  	[tilespmem:$0x2A20] =	vst v1  }
0x32: {  	[tilespmem:$0x2A30] =	vst v1  }
0x33: {  	[tilespmem:$0x2A40] =	vst v1  }
0x34: {  	[tilespmem:$0x2A50] =	vst v1  }
0x35: {  	[tilespmem:$0x2A60] =	vst v1  }
0x36: {  	[tilespmem:$0x2A70] =	vst v1  }
0x37: {  	[tilespmem:$0x2A80] =	vst v1  }
0x38: {  	[tilespmem:$0x2A90] =	vst v1  }
0x39: {  	[tilespmem:$0x2AA0] =	vst v1  }
0x3a: {  	[tilespmem:$0x2AB0] =	vst v1  }
0x3b: {  	[tilespmem:$0x2AC0] =	vst v1  }
0x3c: {  	[tilespmem:$0x2AD0] =	vst v1  }
0x3d: {  	[tilespmem:$0x2AE0] =	vst v1  }
0x3e: {  	[tilespmem:$0x2AF0] =	vst v1  }
0x3f: {  	[spmem:s4] =	stream.linear.scatter [tilespmem:s8], [sflag:$0x1], $0x280, $0x38;
	[tilespmem:$0x2D80] =	vst v63  }
0x40: {  	_ =	swait.ge [sflag:s9], $0x280  }
0x41: {  	[sflag:s9] =	ssyncset.done $0x0  }
0x42: {  	[sflag:s9] =	ssyncadd.s32 $0xFFFFFD80  }
0x43: {  	[bflag:$0x0] =	sbarrier.arrive $0xFFFF  }
0x44: {  	[tilespmem:s3], [sflag:$0x1] =	stream.linear.gather [hbm4b:s5+s3], $0x2800, $0x38;
	[tilespmem:$0x2D80] =	vst v63  }
0x45: {  	_ =	swait.ge [sflag:s9], $0x2800  }
0x46: {  	[sflag:s9] =	ssyncset.done $0x0  }
0x47: {  	s15 =	simm.s32 $0x0;
	[sflag:s9] =	ssyncadd.s32 $0xFFFFD800  }
0x48: {  	[spmem:s2] =	stream.indirect.scatter.add.f32 [tilespmem:s11], [sflag:$0x1], $0x1, s15, s10, $0xb8;
	[tilespmem:$0x2D80] =	vst v63  }
0x49: {  	_ =	swait.ge [sflag:s9], $0x80  }
0x4a: {  	s15 =	simm.s32 $0x200;
	[sflag:s9] =	ssyncset.done $0x0  }
.LBB2_2:
0x4b: {  	s16 =	sshra.s32 s15, $0x2;
	[sflag:s9] =	ssyncadd.s32 $0xFFFFFF80;
	p0 =	sne.s32 s15, $0x9E00  }
0x4c: {  	[spmem:s2] =	stream.indirect.scatter.add.f32 [tilespmem:s11], [sflag:$0x1], $0x1, s16, s10, $0xb8;
	[tilespmem:$0x2D80] =	vst v63  }
.Ltmp0:
0x4d: {  	_ = 	snop;
	(pc) =	sbr.rel @p0 .LBB2_2-.Ltmp0, $4  }
0x4e: {  	_ = 	snop  }
0x4f: {  	s15 =	sadd.s32 $0x200, s15  }
0x50: {  	_ =	swait.ge [sflag:s9], $0x80  }
0x51: {  	[sflag:s9] =	ssyncset.done $0x0  }
0x52: {  	s14 =	sadd.s32 $0x1, s14  }
0x53: {  	[sflag:s9] =	ssyncadd.s32 $0xFFFFFF80;
	p0 =	sne.s32 s14, s7  }
.Ltmp1:
0x54: {  	[bflag:$0x0] =	sbarrier.arrive $0xFFFF;
	(pc) =	sbr.rel @p0 .LBB2_1-.Ltmp1, $4  }
0x55: {  	[hbm:s6], [sflag:s12] =	dma.local [spmem:s13], $0x50  }
0x56: {  	_ =	swait.ge [sflag:s9], $0x50  }
0x57: {  	[sflag:s9] =	ssyncset.done $0x0  }
0x58: {  	[sflag:s9] =	ssyncadd.s32 $0xFFFFFFB0  }
0x59: {  	_ =	sfence.sel $0x180000  }
0x5a: {  	[bflag:$0x0] =	sbarrier.arrive $0xFFFF  }
0x5b: {  	p0 =	sne.s32 s1, $0x0;
	_ =	strace $0x90000047  }
0x5c: {  	s0 =	sadd.s32 @!p0 $0x100000, s0;
	[bflag:$0x2] =	sbarrier.arrive $0xFFFF  }
0x5d: {  	[sflag:s0] =	ssyncadd.tile.s32 @!p0 $0x1;
	_ =	shalt  }
.Lfunc_end2:
_tile_overlayer_lowered:
.L_overlay_start_2:
0x5e: {  	(tag) =	ssettag $0x2  }
0x5f: {  	s0 =	rddreg [dreg:$0x0];
	s2 =	stileid.u32  }
0x60: {  	s1 =	rddreg [dreg:$0x1];
	p0 =	sne.s32 s2, $0x0  }
0x61: {  	s3 =	rddreg [dreg:$0x2];
	[bflag:$0x3] =	sbarrier.arrive $0xFFFF;
	s2 =	simm.s32 @!p0 $0x1C01  }
0x62: {  	[timem:s3], [sflag:s2] =	dma.local @!p0 [hbm:s0], s1  }
0x63: {  	s0 =	simm.s32 @!p0 $0x1  }
0x64: {  	_ =	swait.ge @!p0 [sflag:s0], s1  }
0x65: {  	s1 =	ssub.s32 @!p0 $0x0, s1;
	[sflag:s0] =	ssyncset.done @!p0 $0x0  }
0x66: {  	[sflag:s0] =	ssyncadd.s32 @!p0 s1  }
0x67: {  	[bflag:$0x3] =	sbarrier.arrive $0xFFFF  }
0x68: {  	_ =	shalt  }

</sc_bundles>
